<compile_context>
chip_gen: v7x
topology: tpu7x:2x2x1
jax: 0.10.2.dev20260603
libtpu: 0.0.44.dev20260713+nightly
codegen_flags: <defaults>
</compile_context>

<pallas_src>
import functools

import jax
import jax.numpy as jnp
from jax import lax
from jax.experimental import pallas as pl
from jax.experimental.pallas import tpu as pltpu
from jax.experimental.pallas import tpu_sc as plsc

D = 128
MINUTE_SIZE = 4
HOUR_SIZE = 24
WEEKDAY = 7
WD_PAD = 8
T_ROWS = MINUTE_SIZE * HOUR_SIZE
F_ROWS = T_ROWS * WD_PAD

NC, NS, L = 2, 16, 16
NW = NC * NS
HC = 2
NBUF = 4
LA = 3
HBM_BS = (3,)


def _tc_prep(time, weekday, minute_embed, hour_embed, weekday_embed):

    batch, t_len = time.shape
    tp_len = -(-t_len // D) * D

    def body(t_ref, wd_ref, m_ref, h_ref, w_ref, out_ref, idx_ref):
        r = lax.broadcasted_iota(jnp.int32, (F_ROWS, 1), 0)
        hour_id = r // (MINUTE_SIZE * WD_PAD)
        min_id = (r // WD_PAD) % MINUTE_SIZE
        wd_id = r % WD_PAD
        h_sel = jnp.zeros((F_ROWS, D), jnp.float32)
        for k in range(HOUR_SIZE):
            h_sel = jnp.where(hour_id == k, h_ref[k, :][None, :], h_sel)
        m_sel = jnp.zeros((F_ROWS, D), jnp.float32)
        for k in range(MINUTE_SIZE):
            m_sel = jnp.where(min_id == k, m_ref[k, :][None, :], m_sel)
        w_sel = jnp.zeros((F_ROWS, D), jnp.float32)
        for k in range(WEEKDAY):
            w_sel = jnp.where(wd_id == k, w_ref[k, :][None, :], w_sel)
        out_ref[...] = h_sel + m_sel + w_sel
        idx_ref[...] = (t_ref[...] * WD_PAD + wd_ref[...]).reshape(-1)

    full = lambda shape: pl.BlockSpec(shape, lambda i: (0,) * len(shape))
    return pl.pallas_call(
        body,
        grid=(1,),
        in_specs=[
            full((batch, tp_len)),
            full((batch, tp_len)),
            full((MINUTE_SIZE, D)),
            full((HOUR_SIZE, D)),
            full((WEEKDAY, D)),
        ],
        out_specs=(full((F_ROWS, D)), full((batch * tp_len,))),
        out_shape=(
            jax.ShapeDtypeStruct((F_ROWS, D), jnp.float32),
            jax.ShapeDtypeStruct((batch * tp_len,), jnp.int32),
        ),
    )(time, weekday, minute_embed, hour_embed, weekday_embed)


def _make_sc_gather(batch, t_len, tp_len):
    rows_b = batch // NW
    rows_pw = rows_b * t_len
    idx_pw = rows_b * tp_len
    ch0 = -(-(t_len // 2) // 8) * 8
    ch1 = t_len - ch0
    chs = (ch0, ch1)
    n_chunks = rows_b * HC
    assert n_chunks % NBUF == 0 and NBUF % HC == 0 and 0 < ch1

    mesh = plsc.VectorSubcoreMesh(
        core_axis_name="c", subcore_axis_name="s", num_cores=NC, num_subcores=NS
    )

    @functools.partial(
        pl.kernel,
        out_type=jax.ShapeDtypeStruct((batch * t_len, D), jnp.float32),
        mesh=mesh,
        scratch_types=[
            pltpu.VMEM_SHARED((F_ROWS, D), jnp.float32),
            pltpu.VMEM((idx_pw,), jnp.int32),
        ]
        + [pltpu.VMEM((chs[b % HC], D), jnp.float32) for b in range(NBUF)]
        + [pltpu.SemaphoreType.DMA] * (2 * NBUF + 1),
    )
    def sc_gather(table_hbm, idx_hbm, out_hbm, table_sh, idx_all, *scratch):
        rbufs = scratch[:NBUF]
        sg = scratch[NBUF:2 * NBUF]
        so = scratch[2 * NBUF:2 * NBUF + NBUF]
        st = scratch[3 * NBUF]
        cid = lax.axis_index("c")
        sid = lax.axis_index("s")
        wid = sid * NC + cid
        base = wid * rows_pw

        pltpu.async_copy(idx_hbm.at[pl.ds(wid * idx_pw, idx_pw)], idx_all, st)

        @pl.when(sid == 0)
        def _():
            pltpu.sync_copy(table_hbm, table_sh)

        pltpu.make_async_copy(idx_hbm.at[pl.ds(wid * idx_pw, idx_pw)], idx_all, st).wait()

        def idx_ref(i, b):
            off = 0 if b % HC == 0 else ch0
            return idx_all.at[pl.ds((i // HC) * tp_len + off, chs[b % HC])]

        def out_slice(i, b):
            off = 0 if b % HC == 0 else ch0
            return out_hbm.at[pl.ds(base + (i // HC) * t_len + off, chs[b % HC])]

        plsc.subcore_barrier()

        def src(b):
            return table_hbm if b in HBM_BS else table_sh

        for i in range(LA):
            pltpu.async_copy(src(i).at[idx_ref(i, i)], rbufs[i], sg[i])

        def group(g, _):
            for b in range(NBUF):
                i = g * NBUF + b
                b2 = (b + LA) % NBUF

                @pl.when(i >= NBUF - LA)
                def _():
                    pltpu.make_async_copy(
                        rbufs[b2], out_slice(i - (NBUF - LA), b2), so[b2]
                    ).wait()

                @pl.when(i + LA < n_chunks)
                def _():
                    pltpu.async_copy(src(b2).at[idx_ref(i + LA, b2)], rbufs[b2], sg[b2])

                pltpu.make_async_copy(src(b).at[idx_ref(i, b)], rbufs[b], sg[b]).wait()
                pltpu.async_copy(rbufs[b], out_slice(i, b), so[b])
            return 0

        lax.fori_loop(0, n_chunks // NBUF, group, 0)

        for k in range(NBUF - LA, 0, -1):
            i = n_chunks - k
            pltpu.make_async_copy(
                rbufs[i % NBUF], out_slice(i, i % NBUF), so[i % NBUF]
            ).wait()

    return sc_gather


def kernel(time, weekday, minute_embed, hour_embed, weekday_embed):
    batch, t_len = time.shape
    tp_len = -(-t_len // D) * D
    table, fused_idx = _tc_prep(time, weekday, minute_embed, hour_embed,
                                weekday_embed)
    out = _make_sc_gather(batch, t_len, tp_len)(table, fused_idx)
    return out.reshape(batch, t_len, D)

# --- scband reference (transcript-rebuilt; emitter-appended) ---
"""Pipeline reference for scband-temporal-embedding-88802743812792 (READ-ONLY COPY).

The authoritative reference and input builder live on the scoring server;
editing this copy changes nothing except your own understanding.
"""

import jax, jax.numpy as jnp
import numpy as np

D_INPUT = 128
MINUTE_SIZE = 4
HOUR_SIZE = 24
WEEKDAY = 7

def setup_inputs(seed: int = 0) -> dict:
    key = jax.random.key(seed)
    k1, k2, k3, k4, k5 = jax.random.split(key, 5)
    time = jax.random.randint(k1, (4096, 200), 0, MINUTE_SIZE * HOUR_SIZE, dtype=jnp.int64 if jax.config.read('jax_enable_x64') else jnp.int32)
    weekday = jax.random.randint(k2, (4096, 200), 0, WEEKDAY, dtype=jnp.int64 if jax.config.read('jax_enable_x64') else jnp.int32)
    minute_embed = jax.random.normal(k3, (MINUTE_SIZE, D_INPUT), dtype=jnp.float32)
    hour_embed = jax.random.normal(k4, (HOUR_SIZE, D_INPUT), dtype=jnp.float32)
    weekday_embed = jax.random.normal(k5, (WEEKDAY, D_INPUT), dtype=jnp.float32)
    return {
        'time': time,
        'weekday': weekday,
        'minute_embed': minute_embed,
        'hour_embed': hour_embed,
        'weekday_embed': weekday_embed,
    }

def reference(time, weekday, minute_embed, hour_embed, weekday_embed):
    # emb_info == 'all' branch of TemporalEmbedding.forward
    hour = time // MINUTE_SIZE          # torch.div(..., rounding_mode='floor')
    minutes = time % 4
    minute_x = jnp.take(minute_embed, minutes, axis=0)
    hour_x = jnp.take(hour_embed, hour, axis=0)
    weekday_x = jnp.take(weekday_embed, weekday, axis=0)
    return hour_x + minute_x + weekday_x

if __name__ == "__main__":
    import jax
    _d = setup_inputs()
    print(jax.jit(kernel)(*tuple(_d.values())))

</pallas_src>

<mosaic_0001>
#map = affine_map<(d0, d1) -> (0, 0)>
#map1 = affine_map<(d0, d1) -> (0)>
module attributes {stable_mosaic.version = 14 : i64} {
  func.func @sc_gather(%arg0: i32, %arg1: i32, %arg2: memref<768x128xf32, #tpu.memory_space<hbm>>, %arg3: memref<1048576xi32, #tpu.memory_space<hbm>>, %arg4: memref<819200x128xf32, #tpu.memory_space<hbm>>, %arg5: memref<768x128xf32, #tpu.memory_space<vmem_shared>>, %arg6: memref<32768xi32, #tpu.memory_space<vmem>>, %arg7: memref<104x128xf32, #tpu.memory_space<vmem>>, %arg8: memref<96x128xf32, #tpu.memory_space<vmem>>, %arg9: memref<104x128xf32, #tpu.memory_space<vmem>>, %arg10: memref<96x128xf32, #tpu.memory_space<vmem>>, %arg11: memref<!tpu.dma_semaphore, #tpu.memory_space<semaphore_mem>>, %arg12: memref<!tpu.dma_semaphore, #tpu.memory_space<semaphore_mem>>, %arg13: memref<!tpu.dma_semaphore, #tpu.memory_space<semaphore_mem>>, %arg14: memref<!tpu.dma_semaphore, #tpu.memory_space<semaphore_mem>>, %arg15: memref<!tpu.dma_semaphore, #tpu.memory_space<semaphore_mem>>, %arg16: memref<!tpu.dma_semaphore, #tpu.memory_space<semaphore_mem>>, %arg17: memref<!tpu.dma_semaphore, #tpu.memory_space<semaphore_mem>>, %arg18: memref<!tpu.dma_semaphore, #tpu.memory_space<semaphore_mem>>, %arg19: memref<!tpu.dma_semaphore, #tpu.memory_space<semaphore_mem>>) attributes {dimension_semantics = [#tpu.dimension_semantics<core_parallel>, #tpu.dimension_semantics<subcore_parallel>], iteration_bounds = array<i64: 2, 16>, scalar_prefetch = 0 : i64, scratch_operands = 15 : i64, tpu.core_type = #tpu.core_type<sc_vector_subcore>, window_params = [{transform_indices = #map}, {transform_indices = #map1}, {transform_indices = #map}]} {
    %mul3A = arith.constant 2 : i32
    %mul3A_0 = arith.muli %arg1, %mul3A : i32
    %add3A = arith.addi %mul3A_0, %arg0 : i32
    %mul3A_1 = arith.constant 25600 : i32
    %mul3A_2 = arith.muli %add3A, %mul3A_1 : i32
    %mul3A_3 = arith.constant 32768 : i32
    %mul3A_4 = arith.muli %add3A, %mul3A_3 : i32
    %dma_start3A = tpu.memref_slice %arg3[%mul3A_4] : memref<1048576xi32, #tpu.memory_space<hbm>> -> memref<32768xi32, #tpu.memory_space<hbm>>
    %dma_start3A_5 = tpu.memref_slice %arg3[%mul3A_4] : memref<1048576xi32, #tpu.memory_space<hbm>> -> memref<32768xi32, #tpu.memory_space<hbm>>
    tpu.enqueue_dma source(%dma_start3A_5 : memref<32768xi32, #tpu.memory_space<hbm>>) target(%arg6 : memref<32768xi32, #tpu.memory_space<vmem>>) target_semaphore(%arg19 : memref<!tpu.dma_semaphore, #tpu.memory_space<semaphore_mem>>)
    %eq3A = arith.constant 0 : i32
    %eq3A_6 = arith.cmpi eq, %arg1, %eq3A : i32
    %convert_element_type3A = arith.extui %eq3A_6 : i1 to i32
    %cond3A = arith.constant 0 : i32
    %cond3A_7 = arith.cmpi ne, %convert_element_type3A, %cond3A : i32
    scf.if %cond3A_7 {
      "tpu.region"() ({
        %run_scoped3A = tpu.sem_alloc : memref<!tpu.dma_semaphore, #tpu.memory_space<semaphore_mem>>
        tpu.enqueue_dma source(%arg2 : memref<768x128xf32, #tpu.memory_space<hbm>>) target(%arg5 : memref<768x128xf32, #tpu.memory_space<vmem_shared>>) target_semaphore(%run_scoped3A : memref<!tpu.dma_semaphore, #tpu.memory_space<semaphore_mem>>)
        tpu.wait_dma2 semaphore(%run_scoped3A : memref<!tpu.dma_semaphore, #tpu.memory_space<semaphore_mem>>) src(%arg2 : memref<768x128xf32, #tpu.memory_space<hbm>>) dst(%arg5 : memref<768x128xf32, #tpu.memory_space<vmem_shared>>)
        tpu.yield
      }) : () -> ()
    } else {
    }
    %mul3A_8 = arith.constant 32768 : i32
    %mul3A_9 = arith.muli %add3A, %mul3A_8 : i32
    %dma_wait3A = tpu.memref_slice %arg3[%mul3A_9] : memref<1048576xi32, #tpu.memory_space<hbm>> -> memref<32768xi32, #tpu.memory_space<hbm>>
    %dma_wait3A_10 = tpu.memref_slice %arg3[%mul3A_9] : memref<1048576xi32, #tpu.memory_space<hbm>> -> memref<32768xi32, #tpu.memory_space<hbm>>
    tpu.wait_dma2 semaphore(%arg19 : memref<!tpu.dma_semaphore, #tpu.memory_space<semaphore_mem>>) src(%dma_wait3A_10 : memref<32768xi32, #tpu.memory_space<hbm>>) dst(%arg6 : memref<32768xi32, #tpu.memory_space<vmem>>)
    %barrier3A = arith.constant 0 : index
    tpu.barrier barrier_id(%barrier3A)
    %dma_start3A_11 = arith.constant 0 : i32
    %dma_start3A_12 = tpu.memref_slice %arg6[%dma_start3A_11] : memref<32768xi32, #tpu.memory_space<vmem>> -> memref<104xi32, #tpu.memory_space<vmem>>
    %dma_start3A_13 = arith.constant 0 : i32
    %dma_start3A_14 = arith.constant 0 : i32
    %dma_start3A_15 = tpu.memref_slice %arg5[%dma_start3A_13, %dma_start3A_14] : memref<768x128xf32, #tpu.memory_space<vmem_shared>> -> memref<768x128xf32, #tpu.memory_space<vmem_shared>>
    tpu.enqueue_indirect_dma source(%dma_start3A_15 : memref<768x128xf32, #tpu.memory_space<vmem_shared>>) target(%arg7 : memref<104x128xf32, #tpu.memory_space<vmem>>) offsets(%dma_start3A_12 : memref<104xi32, #tpu.memory_space<vmem>>) semaphore(%arg11 : memref<!tpu.dma_semaphore, #tpu.memory_space<semaphore_mem>>)
    %dma_start3A_16 = arith.constant 104 : i32
    %dma_start3A_17 = tpu.memref_slice %arg6[%dma_start3A_16] : memref<32768xi32, #tpu.memory_space<vmem>> -> memref<96xi32, #tpu.memory_space<vmem>>
    %dma_start3A_18 = arith.constant 0 : i32
    %dma_start3A_19 = arith.constant 0 : i32
    %dma_start3A_20 = tpu.memref_slice %arg5[%dma_start3A_18, %dma_start3A_19] : memref<768x128xf32, #tpu.memory_space<vmem_shared>> -> memref<768x128xf32, #tpu.memory_space<vmem_shared>>
    tpu.enqueue_indirect_dma source(%dma_start3A_20 : memref<768x128xf32, #tpu.memory_space<vmem_shared>>) target(%arg8 : memref<96x128xf32, #tpu.memory_space<vmem>>) offsets(%dma_start3A_17 : memref<96xi32, #tpu.memory_space<vmem>>) semaphore(%arg12 : memref<!tpu.dma_semaphore, #tpu.memory_space<semaphore_mem>>)
    %dma_start3A_21 = arith.constant 256 : i32
    %dma_start3A_22 = tpu.memref_slice %arg6[%dma_start3A_21] : memref<32768xi32, #tpu.memory_space<vmem>> -> memref<104xi32, #tpu.memory_space<vmem>>
    %dma_start3A_23 = arith.constant 0 : i32
    %dma_start3A_24 = arith.constant 0 : i32
    %dma_start3A_25 = tpu.memref_slice %arg5[%dma_start3A_23, %dma_start3A_24] : memref<768x128xf32, #tpu.memory_space<vmem_shared>> -> memref<768x128xf32, #tpu.memory_space<vmem_shared>>
    tpu.enqueue_indirect_dma source(%dma_start3A_25 : memref<768x128xf32, #tpu.memory_space<vmem_shared>>) target(%arg9 : memref<104x128xf32, #tpu.memory_space<vmem>>) offsets(%dma_start3A_22 : memref<104xi32, #tpu.memory_space<vmem>>) semaphore(%arg13 : memref<!tpu.dma_semaphore, #tpu.memory_space<semaphore_mem>>)
    %scan3A = arith.constant 0 : i32
    %scan3A_26 = arith.constant 0 : i32
    %scan3A_27 = arith.constant 64 : i32
    %scan3A_28 = arith.addi %scan3A_26, %scan3A_27 : i32
    %scan3A_29 = arith.constant 1 : i32
    %scan3A_30 = scf.for %scan3A_40 = %scan3A_26 to %scan3A_28 step %scan3A_29 iter_args(%scan3A_41 = %scan3A) -> (i32)  : i32 {
      %mul3A_42 = arith.constant 4 : i32
      %mul3A_43 = arith.muli %scan3A_40, %mul3A_42 : i32
      %add3A_44 = arith.constant 0 : i32
      %add3A_45 = arith.addi %mul3A_43, %add3A_44 : i32
      %ge3A = arith.constant 1 : i32
      %ge3A_46 = arith.cmpi sge, %add3A_45, %ge3A : i32
      %convert_element_type3A_47 = arith.extui %ge3A_46 : i1 to i32
      %cond3A_48 = arith.constant 0 : i32
      %cond3A_49 = arith.cmpi ne, %convert_element_type3A_47, %cond3A_48 : i32
      scf.if %cond3A_49 {
        %sub3A_357 = arith.constant 1 : i32
        %sub3A_358 = arith.subi %add3A_45, %sub3A_357 : i32
        %jit3A_359 = arith.constant 2 : i32
        %div3A_360 = arith.divsi %sub3A_358, %jit3A_359 : i32
        %sign3A_361 = arith.constant 0 : i32
        %sign3A_362 = arith.cmpi sgt, %sub3A_358, %sign3A_361 : i32
        %sign3A_363 = arith.extui %sign3A_362 : i1 to i32
        %sign3A_364 = arith.constant 0 : i32
        %sign3A_365 = arith.cmpi slt, %sub3A_358, %sign3A_364 : i32
        %sign3A_366 = arith.extui %sign3A_365 : i1 to i32
        %sign3A_367 = arith.subi %sign3A_363, %sign3A_366 : i32
        %sign3A_368 = arith.constant 0 : i32
        %sign3A_369 = arith.cmpi sgt, %jit3A_359, %sign3A_368 : i32
        %sign3A_370 = arith.extui %sign3A_369 : i1 to i32
        %sign3A_371 = arith.constant 0 : i32
        %sign3A_372 = arith.cmpi slt, %jit3A_359, %sign3A_371 : i32
        %sign3A_373 = arith.extui %sign3A_372 : i1 to i32
        %sign3A_374 = arith.subi %sign3A_370, %sign3A_373 : i32
        %ne3A_375 = arith.cmpi ne, %sign3A_367, %sign3A_374 : i32
        %rem3A_376 = arith.remsi %sub3A_358, %jit3A_359 : i32
        %ne3A_377 = arith.constant 0 : i32
        %ne3A_378 = arith.cmpi ne, %rem3A_376, %ne3A_377 : i32
        %and3A_379 = arith.andi %ne3A_375, %ne3A_378 : i1
        %sub3A_380 = arith.constant 1 : i32
        %sub3A_381 = arith.subi %div3A_360, %sub3A_380 : i32
        %select_n3A_382 = arith.select %and3A_379, %sub3A_381, %div3A_360 : i32
        %mul3A_383 = arith.constant 200 : i32
        %mul3A_384 = arith.muli %select_n3A_382, %mul3A_383 : i32
        %add3A_385 = arith.addi %mul3A_2, %mul3A_384 : i32
        %add3A_386 = arith.constant 104 : i32
        %add3A_387 = arith.addi %add3A_385, %add3A_386 : i32
        %dma_wait3A_388 = arith.constant 0 : i32
        %dma_wait3A_389 = tpu.memref_slice %arg4[%add3A_387, %dma_wait3A_388] : memref<819200x128xf32, #tpu.memory_space<hbm>> -> memref<96x128xf32, #tpu.memory_space<hbm>>
        %dma_wait3A_390 = arith.constant 0 : i32
        %dma_wait3A_391 = tpu.memref_slice %arg4[%add3A_387, %dma_wait3A_390] : memref<819200x128xf32, #tpu.memory_space<hbm>> -> memref<96x128xf32, #tpu.memory_space<hbm>>
        tpu.wait_dma2 semaphore(%arg18 : memref<!tpu.dma_semaphore, #tpu.memory_space<semaphore_mem>>) src(%arg10 : memref<96x128xf32, #tpu.memory_space<vmem>>) dst(%dma_wait3A_391 : memref<96x128xf32, #tpu.memory_space<hbm>>)
      } else {
      }
      %add3A_50 = arith.constant 3 : i32
      %add3A_51 = arith.addi %add3A_45, %add3A_50 : i32
      %lt3A = arith.constant 256 : i32
      %lt3A_52 = arith.cmpi slt, %add3A_51, %lt3A : i32
      %convert_element_type3A_53 = arith.extui %lt3A_52 : i1 to i32
      %cond3A_54 = arith.constant 0 : i32
      %cond3A_55 = arith.cmpi ne, %convert_element_type3A_53, %cond3A_54 : i32
      scf.if %cond3A_55 {
        %add3A_357 = arith.constant 3 : i32
        %add3A_358 = arith.addi %add3A_45, %add3A_357 : i32
        %jit3A_359 = arith.constant 2 : i32
        %div3A_360 = arith.divsi %add3A_358, %jit3A_359 : i32
        %sign3A_361 = arith.constant 0 : i32
        %sign3A_362 = arith.cmpi sgt, %add3A_358, %sign3A_361 : i32
        %sign3A_363 = arith.extui %sign3A_362 : i1 to i32
        %sign3A_364 = arith.constant 0 : i32
        %sign3A_365 = arith.cmpi slt, %add3A_358, %sign3A_364 : i32
        %sign3A_366 = arith.extui %sign3A_365 : i1 to i32
        %sign3A_367 = arith.subi %sign3A_363, %sign3A_366 : i32
        %sign3A_368 = arith.constant 0 : i32
        %sign3A_369 = arith.cmpi sgt, %jit3A_359, %sign3A_368 : i32
        %sign3A_370 = arith.extui %sign3A_369 : i1 to i32
        %sign3A_371 = arith.constant 0 : i32
        %sign3A_372 = arith.cmpi slt, %jit3A_359, %sign3A_371 : i32
        %sign3A_373 = arith.extui %sign3A_372 : i1 to i32
        %sign3A_374 = arith.subi %sign3A_370, %sign3A_373 : i32
        %ne3A_375 = arith.cmpi ne, %sign3A_367, %sign3A_374 : i32
        %rem3A_376 = arith.remsi %add3A_358, %jit3A_359 : i32
        %ne3A_377 = arith.constant 0 : i32
        %ne3A_378 = arith.cmpi ne, %rem3A_376, %ne3A_377 : i32
        %and3A_379 = arith.andi %ne3A_375, %ne3A_378 : i1
        %sub3A_380 = arith.constant 1 : i32
        %sub3A_381 = arith.subi %div3A_360, %sub3A_380 : i32
        %select_n3A_382 = arith.select %and3A_379, %sub3A_381, %div3A_360 : i32
        %mul3A_383 = arith.constant 256 : i32
        %mul3A_384 = arith.muli %select_n3A_382, %mul3A_383 : i32
        %add3A_385 = arith.constant 104 : i32
        %add3A_386 = arith.addi %mul3A_384, %add3A_385 : i32
        %dma_start3A_387 = tpu.memref_slice %arg6[%add3A_386] : memref<32768xi32, #tpu.memory_space<vmem>> -> memref<96xi32, #tpu.memory_space<vmem>>
        %dma_start3A_388 = arith.constant 0 : i32
        %dma_start3A_389 = arith.constant 0 : i32
        %dma_start3A_390 = tpu.memref_slice %arg2[%dma_start3A_388, %dma_start3A_389] : memref<768x128xf32, #tpu.memory_space<hbm>> -> memref<768x128xf32, #tpu.memory_space<hbm>>
        tpu.enqueue_indirect_dma source(%dma_start3A_390 : memref<768x128xf32, #tpu.memory_space<hbm>>) target(%arg10 : memref<96x128xf32, #tpu.memory_space<vmem>>) offsets(%dma_start3A_387 : memref<96xi32, #tpu.memory_space<vmem>>) semaphore(%arg14 : memref<!tpu.dma_semaphore, #tpu.memory_space<semaphore_mem>>)
      } else {
      }
      %jit3A = arith.constant 2 : i32
      %div3A = arith.divsi %add3A_45, %jit3A : i32
      %sign3A = arith.constant 0 : i32
      %sign3A_56 = arith.cmpi sgt, %add3A_45, %sign3A : i32
      %sign3A_57 = arith.extui %sign3A_56 : i1 to i32
      %sign3A_58 = arith.constant 0 : i32
      %sign3A_59 = arith.cmpi slt, %add3A_45, %sign3A_58 : i32
      %sign3A_60 = arith.extui %sign3A_59 : i1 to i32
      %sign3A_61 = arith.subi %sign3A_57, %sign3A_60 : i32
      %sign3A_62 = arith.constant 0 : i32
      %sign3A_63 = arith.cmpi sgt, %jit3A, %sign3A_62 : i32
      %sign3A_64 = arith.extui %sign3A_63 : i1 to i32
      %sign3A_65 = arith.constant 0 : i32
      %sign3A_66 = arith.cmpi slt, %jit3A, %sign3A_65 : i32
      %sign3A_67 = arith.extui %sign3A_66 : i1 to i32
      %sign3A_68 = arith.subi %sign3A_64, %sign3A_67 : i32
      %ne3A = arith.cmpi ne, %sign3A_61, %sign3A_68 : i32
      %rem3A = arith.remsi %add3A_45, %jit3A : i32
      %ne3A_69 = arith.constant 0 : i32
      %ne3A_70 = arith.cmpi ne, %rem3A, %ne3A_69 : i32
      %and3A = arith.andi %ne3A, %ne3A_70 : i1
      %sub3A = arith.constant 1 : i32
      %sub3A_71 = arith.subi %div3A, %sub3A : i32
      %select_n3A = arith.select %and3A, %sub3A_71, %div3A : i32
      %mul3A_72 = arith.constant 256 : i32
      %mul3A_73 = arith.muli %select_n3A, %mul3A_72 : i32
      %add3A_74 = arith.constant 0 : i32
      %add3A_75 = arith.addi %mul3A_73, %add3A_74 : i32
      %dma_wait3A_76 = tpu.memref_slice %arg6[%add3A_75] : memref<32768xi32, #tpu.memory_space<vmem>> -> memref<104xi32, #tpu.memory_space<vmem>>
      %dma_wait3A_77 = arith.constant 0 : i32
      %dma_wait3A_78 = arith.constant 0 : i32
      %dma_wait3A_79 = tpu.memref_slice %arg5[%dma_wait3A_77, %dma_wait3A_78] : memref<768x128xf32, #tpu.memory_space<vmem_shared>> -> memref<768x128xf32, #tpu.memory_space<vmem_shared>>
      tpu.wait_indirect_dma semaphore(%arg11 : memref<!tpu.dma_semaphore, #tpu.memory_space<semaphore_mem>>) src(%dma_wait3A_79 : memref<768x128xf32, #tpu.memory_space<vmem_shared>>) dst(%arg7 : memref<104x128xf32, #tpu.memory_space<vmem>>)
      %jit3A_80 = arith.constant 2 : i32
      %div3A_81 = arith.divsi %add3A_45, %jit3A_80 : i32
      %sign3A_82 = arith.constant 0 : i32
      %sign3A_83 = arith.cmpi sgt, %add3A_45, %sign3A_82 : i32
      %sign3A_84 = arith.extui %sign3A_83 : i1 to i32
      %sign3A_85 = arith.constant 0 : i32
      %sign3A_86 = arith.cmpi slt, %add3A_45, %sign3A_85 : i32
      %sign3A_87 = arith.extui %sign3A_86 : i1 to i32
      %sign3A_88 = arith.subi %sign3A_84, %sign3A_87 : i32
      %sign3A_89 = arith.constant 0 : i32
      %sign3A_90 = arith.cmpi sgt, %jit3A_80, %sign3A_89 : i32
      %sign3A_91 = arith.extui %sign3A_90 : i1 to i32
      %sign3A_92 = arith.constant 0 : i32
      %sign3A_93 = arith.cmpi slt, %jit3A_80, %sign3A_92 : i32
      %sign3A_94 = arith.extui %sign3A_93 : i1 to i32
      %sign3A_95 = arith.subi %sign3A_91, %sign3A_94 : i32
      %ne3A_96 = arith.cmpi ne, %sign3A_88, %sign3A_95 : i32
      %rem3A_97 = arith.remsi %add3A_45, %jit3A_80 : i32
      %ne3A_98 = arith.constant 0 : i32
      %ne3A_99 = arith.cmpi ne, %rem3A_97, %ne3A_98 : i32
      %and3A_100 = arith.andi %ne3A_96, %ne3A_99 : i1
      %sub3A_101 = arith.constant 1 : i32
      %sub3A_102 = arith.subi %div3A_81, %sub3A_101 : i32
      %select_n3A_103 = arith.select %and3A_100, %sub3A_102, %div3A_81 : i32
      %mul3A_104 = arith.constant 200 : i32
      %mul3A_105 = arith.muli %select_n3A_103, %mul3A_104 : i32
      %add3A_106 = arith.addi %mul3A_2, %mul3A_105 : i32
      %add3A_107 = arith.constant 0 : i32
      %add3A_108 = arith.addi %add3A_106, %add3A_107 : i32
      %dma_start3A_109 = arith.constant 0 : i32
      %dma_start3A_110 = tpu.memref_slice %arg4[%add3A_108, %dma_start3A_109] : memref<819200x128xf32, #tpu.memory_space<hbm>> -> memref<104x128xf32, #tpu.memory_space<hbm>>
      %dma_start3A_111 = arith.constant 0 : i32
      %dma_start3A_112 = tpu.memref_slice %arg4[%add3A_108, %dma_start3A_111] : memref<819200x128xf32, #tpu.memory_space<hbm>> -> memref<104x128xf32, #tpu.memory_space<hbm>>
      tpu.enqueue_dma source(%arg7 : memref<104x128xf32, #tpu.memory_space<vmem>>) target(%dma_start3A_112 : memref<104x128xf32, #tpu.memory_space<hbm>>) target_semaphore(%arg15 : memref<!tpu.dma_semaphore, #tpu.memory_space<semaphore_mem>>)
      %mul3A_113 = arith.constant 4 : i32
      %mul3A_114 = arith.muli %scan3A_40, %mul3A_113 : i32
      %add3A_115 = arith.constant 1 : i32
      %add3A_116 = arith.addi %mul3A_114, %add3A_115 : i32
      %ge3A_117 = arith.constant 1 : i32
      %ge3A_118 = arith.cmpi sge, %add3A_116, %ge3A_117 : i32
      %convert_element_type3A_119 = arith.extui %ge3A_118 : i1 to i32
      %cond3A_120 = arith.constant 0 : i32
      %cond3A_121 = arith.cmpi ne, %convert_element_type3A_119, %cond3A_120 : i32
      scf.if %cond3A_121 {
        %sub3A_357 = arith.constant 1 : i32
        %sub3A_358 = arith.subi %add3A_116, %sub3A_357 : i32
        %jit3A_359 = arith.constant 2 : i32
        %div3A_360 = arith.divsi %sub3A_358, %jit3A_359 : i32
        %sign3A_361 = arith.constant 0 : i32
        %sign3A_362 = arith.cmpi sgt, %sub3A_358, %sign3A_361 : i32
        %sign3A_363 = arith.extui %sign3A_362 : i1 to i32
        %sign3A_364 = arith.constant 0 : i32
        %sign3A_365 = arith.cmpi slt, %sub3A_358, %sign3A_364 : i32
        %sign3A_366 = arith.extui %sign3A_365 : i1 to i32
        %sign3A_367 = arith.subi %sign3A_363, %sign3A_366 : i32
        %sign3A_368 = arith.constant 0 : i32
        %sign3A_369 = arith.cmpi sgt, %jit3A_359, %sign3A_368 : i32
        %sign3A_370 = arith.extui %sign3A_369 : i1 to i32
        %sign3A_371 = arith.constant 0 : i32
        %sign3A_372 = arith.cmpi slt, %jit3A_359, %sign3A_371 : i32
        %sign3A_373 = arith.extui %sign3A_372 : i1 to i32
        %sign3A_374 = arith.subi %sign3A_370, %sign3A_373 : i32
        %ne3A_375 = arith.cmpi ne, %sign3A_367, %sign3A_374 : i32
        %rem3A_376 = arith.remsi %sub3A_358, %jit3A_359 : i32
        %ne3A_377 = arith.constant 0 : i32
        %ne3A_378 = arith.cmpi ne, %rem3A_376, %ne3A_377 : i32
        %and3A_379 = arith.andi %ne3A_375, %ne3A_378 : i1
        %sub3A_380 = arith.constant 1 : i32
        %sub3A_381 = arith.subi %div3A_360, %sub3A_380 : i32
        %select_n3A_382 = arith.select %and3A_379, %sub3A_381, %div3A_360 : i32
        %mul3A_383 = arith.constant 200 : i32
        %mul3A_384 = arith.muli %select_n3A_382, %mul3A_383 : i32
        %add3A_385 = arith.addi %mul3A_2, %mul3A_384 : i32
        %add3A_386 = arith.constant 0 : i32
        %add3A_387 = arith.addi %add3A_385, %add3A_386 : i32
        %dma_wait3A_388 = arith.constant 0 : i32
        %dma_wait3A_389 = tpu.memref_slice %arg4[%add3A_387, %dma_wait3A_388] : memref<819200x128xf32, #tpu.memory_space<hbm>> -> memref<104x128xf32, #tpu.memory_space<hbm>>
        %dma_wait3A_390 = arith.constant 0 : i32
        %dma_wait3A_391 = tpu.memref_slice %arg4[%add3A_387, %dma_wait3A_390] : memref<819200x128xf32, #tpu.memory_space<hbm>> -> memref<104x128xf32, #tpu.memory_space<hbm>>
        tpu.wait_dma2 semaphore(%arg15 : memref<!tpu.dma_semaphore, #tpu.memory_space<semaphore_mem>>) src(%arg7 : memref<104x128xf32, #tpu.memory_space<vmem>>) dst(%dma_wait3A_391 : memref<104x128xf32, #tpu.memory_space<hbm>>)
      } else {
      }
      %add3A_122 = arith.constant 3 : i32
      %add3A_123 = arith.addi %add3A_116, %add3A_122 : i32
      %lt3A_124 = arith.constant 256 : i32
      %lt3A_125 = arith.cmpi slt, %add3A_123, %lt3A_124 : i32
      %convert_element_type3A_126 = arith.extui %lt3A_125 : i1 to i32
      %cond3A_127 = arith.constant 0 : i32
      %cond3A_128 = arith.cmpi ne, %convert_element_type3A_126, %cond3A_127 : i32
      scf.if %cond3A_128 {
        %add3A_357 = arith.constant 3 : i32
        %add3A_358 = arith.addi %add3A_116, %add3A_357 : i32
        %jit3A_359 = arith.constant 2 : i32
        %div3A_360 = arith.divsi %add3A_358, %jit3A_359 : i32
        %sign3A_361 = arith.constant 0 : i32
        %sign3A_362 = arith.cmpi sgt, %add3A_358, %sign3A_361 : i32
        %sign3A_363 = arith.extui %sign3A_362 : i1 to i32
        %sign3A_364 = arith.constant 0 : i32
        %sign3A_365 = arith.cmpi slt, %add3A_358, %sign3A_364 : i32
        %sign3A_366 = arith.extui %sign3A_365 : i1 to i32
        %sign3A_367 = arith.subi %sign3A_363, %sign3A_366 : i32
        %sign3A_368 = arith.constant 0 : i32
        %sign3A_369 = arith.cmpi sgt, %jit3A_359, %sign3A_368 : i32
        %sign3A_370 = arith.extui %sign3A_369 : i1 to i32
        %sign3A_371 = arith.constant 0 : i32
        %sign3A_372 = arith.cmpi slt, %jit3A_359, %sign3A_371 : i32
        %sign3A_373 = arith.extui %sign3A_372 : i1 to i32
        %sign3A_374 = arith.subi %sign3A_370, %sign3A_373 : i32
        %ne3A_375 = arith.cmpi ne, %sign3A_367, %sign3A_374 : i32
        %rem3A_376 = arith.remsi %add3A_358, %jit3A_359 : i32
        %ne3A_377 = arith.constant 0 : i32
        %ne3A_378 = arith.cmpi ne, %rem3A_376, %ne3A_377 : i32
        %and3A_379 = arith.andi %ne3A_375, %ne3A_378 : i1
        %sub3A_380 = arith.constant 1 : i32
        %sub3A_381 = arith.subi %div3A_360, %sub3A_380 : i32
        %select_n3A_382 = arith.select %and3A_379, %sub3A_381, %div3A_360 : i32
        %mul3A_383 = arith.constant 256 : i32
        %mul3A_384 = arith.muli %select_n3A_382, %mul3A_383 : i32
        %add3A_385 = arith.constant 0 : i32
        %add3A_386 = arith.addi %mul3A_384, %add3A_385 : i32
        %dma_start3A_387 = tpu.memref_slice %arg6[%add3A_386] : memref<32768xi32, #tpu.memory_space<vmem>> -> memref<104xi32, #tpu.memory_space<vmem>>
        %dma_start3A_388 = arith.constant 0 : i32
        %dma_start3A_389 = arith.constant 0 : i32
        %dma_start3A_390 = tpu.memref_slice %arg5[%dma_start3A_388, %dma_start3A_389] : memref<768x128xf32, #tpu.memory_space<vmem_shared>> -> memref<768x128xf32, #tpu.memory_space<vmem_shared>>
        tpu.enqueue_indirect_dma source(%dma_start3A_390 : memref<768x128xf32, #tpu.memory_space<vmem_shared>>) target(%arg7 : memref<104x128xf32, #tpu.memory_space<vmem>>) offsets(%dma_start3A_387 : memref<104xi32, #tpu.memory_space<vmem>>) semaphore(%arg11 : memref<!tpu.dma_semaphore, #tpu.memory_space<semaphore_mem>>)
      } else {
      }
      %jit3A_129 = arith.constant 2 : i32
      %div3A_130 = arith.divsi %add3A_116, %jit3A_129 : i32
      %sign3A_131 = arith.constant 0 : i32
      %sign3A_132 = arith.cmpi sgt, %add3A_116, %sign3A_131 : i32
      %sign3A_133 = arith.extui %sign3A_132 : i1 to i32
      %sign3A_134 = arith.constant 0 : i32
      %sign3A_135 = arith.cmpi slt, %add3A_116, %sign3A_134 : i32
      %sign3A_136 = arith.extui %sign3A_135 : i1 to i32
      %sign3A_137 = arith.subi %sign3A_133, %sign3A_136 : i32
      %sign3A_138 = arith.constant 0 : i32
      %sign3A_139 = arith.cmpi sgt, %jit3A_129, %sign3A_138 : i32
      %sign3A_140 = arith.extui %sign3A_139 : i1 to i32
      %sign3A_141 = arith.constant 0 : i32
      %sign3A_142 = arith.cmpi slt, %jit3A_129, %sign3A_141 : i32
      %sign3A_143 = arith.extui %sign3A_142 : i1 to i32
      %sign3A_144 = arith.subi %sign3A_140, %sign3A_143 : i32
      %ne3A_145 = arith.cmpi ne, %sign3A_137, %sign3A_144 : i32
      %rem3A_146 = arith.remsi %add3A_116, %jit3A_129 : i32
      %ne3A_147 = arith.constant 0 : i32
      %ne3A_148 = arith.cmpi ne, %rem3A_146, %ne3A_147 : i32
      %and3A_149 = arith.andi %ne3A_145, %ne3A_148 : i1
      %sub3A_150 = arith.constant 1 : i32
      %sub3A_151 = arith.subi %div3A_130, %sub3A_150 : i32
      %select_n3A_152 = arith.select %and3A_149, %sub3A_151, %div3A_130 : i32
      %mul3A_153 = arith.constant 256 : i32
      %mul3A_154 = arith.muli %select_n3A_152, %mul3A_153 : i32
      %add3A_155 = arith.constant 104 : i32
      %add3A_156 = arith.addi %mul3A_154, %add3A_155 : i32
      %dma_wait3A_157 = tpu.memref_slice %arg6[%add3A_156] : memref<32768xi32, #tpu.memory_space<vmem>> -> memref<96xi32, #tpu.memory_space<vmem>>
      %dma_wait3A_158 = arith.constant 0 : i32
      %dma_wait3A_159 = arith.constant 0 : i32
      %dma_wait3A_160 = tpu.memref_slice %arg5[%dma_wait3A_158, %dma_wait3A_159] : memref<768x128xf32, #tpu.memory_space<vmem_shared>> -> memref<768x128xf32, #tpu.memory_space<vmem_shared>>
      tpu.wait_indirect_dma semaphore(%arg12 : memref<!tpu.dma_semaphore, #tpu.memory_space<semaphore_mem>>) src(%dma_wait3A_160 : memref<768x128xf32, #tpu.memory_space<vmem_shared>>) dst(%arg8 : memref<96x128xf32, #tpu.memory_space<vmem>>)
      %jit3A_161 = arith.constant 2 : i32
      %div3A_162 = arith.divsi %add3A_116, %jit3A_161 : i32
      %sign3A_163 = arith.constant 0 : i32
      %sign3A_164 = arith.cmpi sgt, %add3A_116, %sign3A_163 : i32
      %sign3A_165 = arith.extui %sign3A_164 : i1 to i32
      %sign3A_166 = arith.constant 0 : i32
      %sign3A_167 = arith.cmpi slt, %add3A_116, %sign3A_166 : i32
      %sign3A_168 = arith.extui %sign3A_167 : i1 to i32
      %sign3A_169 = arith.subi %sign3A_165, %sign3A_168 : i32
      %sign3A_170 = arith.constant 0 : i32
      %sign3A_171 = arith.cmpi sgt, %jit3A_161, %sign3A_170 : i32
      %sign3A_172 = arith.extui %sign3A_171 : i1 to i32
      %sign3A_173 = arith.constant 0 : i32
      %sign3A_174 = arith.cmpi slt, %jit3A_161, %sign3A_173 : i32
      %sign3A_175 = arith.extui %sign3A_174 : i1 to i32
      %sign3A_176 = arith.subi %sign3A_172, %sign3A_175 : i32
      %ne3A_177 = arith.cmpi ne, %sign3A_169, %sign3A_176 : i32
      %rem3A_178 = arith.remsi %add3A_116, %jit3A_161 : i32
      %ne3A_179 = arith.constant 0 : i32
      %ne3A_180 = arith.cmpi ne, %rem3A_178, %ne3A_179 : i32
      %and3A_181 = arith.andi %ne3A_177, %ne3A_180 : i1
      %sub3A_182 = arith.constant 1 : i32
      %sub3A_183 = arith.subi %div3A_162, %sub3A_182 : i32
      %select_n3A_184 = arith.select %and3A_181, %sub3A_183, %div3A_162 : i32
      %mul3A_185 = arith.constant 200 : i32
      %mul3A_186 = arith.muli %select_n3A_184, %mul3A_185 : i32
      %add3A_187 = arith.addi %mul3A_2, %mul3A_186 : i32
      %add3A_188 = arith.constant 104 : i32
      %add3A_189 = arith.addi %add3A_187, %add3A_188 : i32
      %dma_start3A_190 = arith.constant 0 : i32
      %dma_start3A_191 = tpu.memref_slice %arg4[%add3A_189, %dma_start3A_190] : memref<819200x128xf32, #tpu.memory_space<hbm>> -> memref<96x128xf32, #tpu.memory_space<hbm>>
      %dma_start3A_192 = arith.constant 0 : i32
      %dma_start3A_193 = tpu.memref_slice %arg4[%add3A_189, %dma_start3A_192] : memref<819200x128xf32, #tpu.memory_space<hbm>> -> memref<96x128xf32, #tpu.memory_space<hbm>>
      tpu.enqueue_dma source(%arg8 : memref<96x128xf32, #tpu.memory_space<vmem>>) target(%dma_start3A_193 : memref<96x128xf32, #tpu.memory_space<hbm>>) target_semaphore(%arg16 : memref<!tpu.dma_semaphore, #tpu.memory_space<semaphore_mem>>)
      %mul3A_194 = arith.constant 4 : i32
      %mul3A_195 = arith.muli %scan3A_40, %mul3A_194 : i32
      %add3A_196 = arith.constant 2 : i32
      %add3A_197 = arith.addi %mul3A_195, %add3A_196 : i32
      %ge3A_198 = arith.constant 1 : i32
      %ge3A_199 = arith.cmpi sge, %add3A_197, %ge3A_198 : i32
      %convert_element_type3A_200 = arith.extui %ge3A_199 : i1 to i32
      %cond3A_201 = arith.constant 0 : i32
      %cond3A_202 = arith.cmpi ne, %convert_element_type3A_200, %cond3A_201 : i32
      scf.if %cond3A_202 {
        %sub3A_357 = arith.constant 1 : i32
        %sub3A_358 = arith.subi %add3A_197, %sub3A_357 : i32
        %jit3A_359 = arith.constant 2 : i32
        %div3A_360 = arith.divsi %sub3A_358, %jit3A_359 : i32
        %sign3A_361 = arith.constant 0 : i32
        %sign3A_362 = arith.cmpi sgt, %sub3A_358, %sign3A_361 : i32
        %sign3A_363 = arith.extui %sign3A_362 : i1 to i32
        %sign3A_364 = arith.constant 0 : i32
        %sign3A_365 = arith.cmpi slt, %sub3A_358, %sign3A_364 : i32
        %sign3A_366 = arith.extui %sign3A_365 : i1 to i32
        %sign3A_367 = arith.subi %sign3A_363, %sign3A_366 : i32
        %sign3A_368 = arith.constant 0 : i32
        %sign3A_369 = arith.cmpi sgt, %jit3A_359, %sign3A_368 : i32
        %sign3A_370 = arith.extui %sign3A_369 : i1 to i32
        %sign3A_371 = arith.constant 0 : i32
        %sign3A_372 = arith.cmpi slt, %jit3A_359, %sign3A_371 : i32
        %sign3A_373 = arith.extui %sign3A_372 : i1 to i32
        %sign3A_374 = arith.subi %sign3A_370, %sign3A_373 : i32
        %ne3A_375 = arith.cmpi ne, %sign3A_367, %sign3A_374 : i32
        %rem3A_376 = arith.remsi %sub3A_358, %jit3A_359 : i32
        %ne3A_377 = arith.constant 0 : i32
        %ne3A_378 = arith.cmpi ne, %rem3A_376, %ne3A_377 : i32
        %and3A_379 = arith.andi %ne3A_375, %ne3A_378 : i1
        %sub3A_380 = arith.constant 1 : i32
        %sub3A_381 = arith.subi %div3A_360, %sub3A_380 : i32
        %select_n3A_382 = arith.select %and3A_379, %sub3A_381, %div3A_360 : i32
        %mul3A_383 = arith.constant 200 : i32
        %mul3A_384 = arith.muli %select_n3A_382, %mul3A_383 : i32
        %add3A_385 = arith.addi %mul3A_2, %mul3A_384 : i32
        %add3A_386 = arith.constant 104 : i32
        %add3A_387 = arith.addi %add3A_385, %add3A_386 : i32
        %dma_wait3A_388 = arith.constant 0 : i32
        %dma_wait3A_389 = tpu.memref_slice %arg4[%add3A_387, %dma_wait3A_388] : memref<819200x128xf32, #tpu.memory_space<hbm>> -> memref<96x128xf32, #tpu.memory_space<hbm>>
        %dma_wait3A_390 = arith.constant 0 : i32
        %dma_wait3A_391 = tpu.memref_slice %arg4[%add3A_387, %dma_wait3A_390] : memref<819200x128xf32, #tpu.memory_space<hbm>> -> memref<96x128xf32, #tpu.memory_space<hbm>>
        tpu.wait_dma2 semaphore(%arg16 : memref<!tpu.dma_semaphore, #tpu.memory_space<semaphore_mem>>) src(%arg8 : memref<96x128xf32, #tpu.memory_space<vmem>>) dst(%dma_wait3A_391 : memref<96x128xf32, #tpu.memory_space<hbm>>)
      } else {
      }
      %add3A_203 = arith.constant 3 : i32
      %add3A_204 = arith.addi %add3A_197, %add3A_203 : i32
      %lt3A_205 = arith.constant 256 : i32
      %lt3A_206 = arith.cmpi slt, %add3A_204, %lt3A_205 : i32
      %convert_element_type3A_207 = arith.extui %lt3A_206 : i1 to i32
      %cond3A_208 = arith.constant 0 : i32
      %cond3A_209 = arith.cmpi ne, %convert_element_type3A_207, %cond3A_208 : i32
      scf.if %cond3A_209 {
        %add3A_357 = arith.constant 3 : i32
        %add3A_358 = arith.addi %add3A_197, %add3A_357 : i32
        %jit3A_359 = arith.constant 2 : i32
        %div3A_360 = arith.divsi %add3A_358, %jit3A_359 : i32
        %sign3A_361 = arith.constant 0 : i32
        %sign3A_362 = arith.cmpi sgt, %add3A_358, %sign3A_361 : i32
        %sign3A_363 = arith.extui %sign3A_362 : i1 to i32
        %sign3A_364 = arith.constant 0 : i32
        %sign3A_365 = arith.cmpi slt, %add3A_358, %sign3A_364 : i32
        %sign3A_366 = arith.extui %sign3A_365 : i1 to i32
        %sign3A_367 = arith.subi %sign3A_363, %sign3A_366 : i32
        %sign3A_368 = arith.constant 0 : i32
        %sign3A_369 = arith.cmpi sgt, %jit3A_359, %sign3A_368 : i32
        %sign3A_370 = arith.extui %sign3A_369 : i1 to i32
        %sign3A_371 = arith.constant 0 : i32
        %sign3A_372 = arith.cmpi slt, %jit3A_359, %sign3A_371 : i32
        %sign3A_373 = arith.extui %sign3A_372 : i1 to i32
        %sign3A_374 = arith.subi %sign3A_370, %sign3A_373 : i32
        %ne3A_375 = arith.cmpi ne, %sign3A_367, %sign3A_374 : i32
        %rem3A_376 = arith.remsi %add3A_358, %jit3A_359 : i32
        %ne3A_377 = arith.constant 0 : i32
        %ne3A_378 = arith.cmpi ne, %rem3A_376, %ne3A_377 : i32
        %and3A_379 = arith.andi %ne3A_375, %ne3A_378 : i1
        %sub3A_380 = arith.constant 1 : i32
        %sub3A_381 = arith.subi %div3A_360, %sub3A_380 : i32
        %select_n3A_382 = arith.select %and3A_379, %sub3A_381, %div3A_360 : i32
        %mul3A_383 = arith.constant 256 : i32
        %mul3A_384 = arith.muli %select_n3A_382, %mul3A_383 : i32
        %add3A_385 = arith.constant 104 : i32
        %add3A_386 = arith.addi %mul3A_384, %add3A_385 : i32
        %dma_start3A_387 = tpu.memref_slice %arg6[%add3A_386] : memref<32768xi32, #tpu.memory_space<vmem>> -> memref<96xi32, #tpu.memory_space<vmem>>
        %dma_start3A_388 = arith.constant 0 : i32
        %dma_start3A_389 = arith.constant 0 : i32
        %dma_start3A_390 = tpu.memref_slice %arg5[%dma_start3A_388, %dma_start3A_389] : memref<768x128xf32, #tpu.memory_space<vmem_shared>> -> memref<768x128xf32, #tpu.memory_space<vmem_shared>>
        tpu.enqueue_indirect_dma source(%dma_start3A_390 : memref<768x128xf32, #tpu.memory_space<vmem_shared>>) target(%arg8 : memref<96x128xf32, #tpu.memory_space<vmem>>) offsets(%dma_start3A_387 : memref<96xi32, #tpu.memory_space<vmem>>) semaphore(%arg12 : memref<!tpu.dma_semaphore, #tpu.memory_space<semaphore_mem>>)
      } else {
      }
      %jit3A_210 = arith.constant 2 : i32
      %div3A_211 = arith.divsi %add3A_197, %jit3A_210 : i32
      %sign3A_212 = arith.constant 0 : i32
      %sign3A_213 = arith.cmpi sgt, %add3A_197, %sign3A_212 : i32
      %sign3A_214 = arith.extui %sign3A_213 : i1 to i32
      %sign3A_215 = arith.constant 0 : i32
      %sign3A_216 = arith.cmpi slt, %add3A_197, %sign3A_215 : i32
      %sign3A_217 = arith.extui %sign3A_216 : i1 to i32
      %sign3A_218 = arith.subi %sign3A_214, %sign3A_217 : i32
      %sign3A_219 = arith.constant 0 : i32
      %sign3A_220 = arith.cmpi sgt, %jit3A_210, %sign3A_219 : i32
      %sign3A_221 = arith.extui %sign3A_220 : i1 to i32
      %sign3A_222 = arith.constant 0 : i32
      %sign3A_223 = arith.cmpi slt, %jit3A_210, %sign3A_222 : i32
      %sign3A_224 = arith.extui %sign3A_223 : i1 to i32
      %sign3A_225 = arith.subi %sign3A_221, %sign3A_224 : i32
      %ne3A_226 = arith.cmpi ne, %sign3A_218, %sign3A_225 : i32
      %rem3A_227 = arith.remsi %add3A_197, %jit3A_210 : i32
      %ne3A_228 = arith.constant 0 : i32
      %ne3A_229 = arith.cmpi ne, %rem3A_227, %ne3A_228 : i32
      %and3A_230 = arith.andi %ne3A_226, %ne3A_229 : i1
      %sub3A_231 = arith.constant 1 : i32
      %sub3A_232 = arith.subi %div3A_211, %sub3A_231 : i32
      %select_n3A_233 = arith.select %and3A_230, %sub3A_232, %div3A_211 : i32
      %mul3A_234 = arith.constant 256 : i32
      %mul3A_235 = arith.muli %select_n3A_233, %mul3A_234 : i32
      %add3A_236 = arith.constant 0 : i32
      %add3A_237 = arith.addi %mul3A_235, %add3A_236 : i32
      %dma_wait3A_238 = tpu.memref_slice %arg6[%add3A_237] : memref<32768xi32, #tpu.memory_space<vmem>> -> memref<104xi32, #tpu.memory_space<vmem>>
      %dma_wait3A_239 = arith.constant 0 : i32
      %dma_wait3A_240 = arith.constant 0 : i32
      %dma_wait3A_241 = tpu.memref_slice %arg5[%dma_wait3A_239, %dma_wait3A_240] : memref<768x128xf32, #tpu.memory_space<vmem_shared>> -> memref<768x128xf32, #tpu.memory_space<vmem_shared>>
      tpu.wait_indirect_dma semaphore(%arg13 : memref<!tpu.dma_semaphore, #tpu.memory_space<semaphore_mem>>) src(%dma_wait3A_241 : memref<768x128xf32, #tpu.memory_space<vmem_shared>>) dst(%arg9 : memref<104x128xf32, #tpu.memory_space<vmem>>)
      %jit3A_242 = arith.constant 2 : i32
      %div3A_243 = arith.divsi %add3A_197, %jit3A_242 : i32
      %sign3A_244 = arith.constant 0 : i32
      %sign3A_245 = arith.cmpi sgt, %add3A_197, %sign3A_244 : i32
      %sign3A_246 = arith.extui %sign3A_245 : i1 to i32
      %sign3A_247 = arith.constant 0 : i32
      %sign3A_248 = arith.cmpi slt, %add3A_197, %sign3A_247 : i32
      %sign3A_249 = arith.extui %sign3A_248 : i1 to i32
      %sign3A_250 = arith.subi %sign3A_246, %sign3A_249 : i32
      %sign3A_251 = arith.constant 0 : i32
      %sign3A_252 = arith.cmpi sgt, %jit3A_242, %sign3A_251 : i32
      %sign3A_253 = arith.extui %sign3A_252 : i1 to i32
      %sign3A_254 = arith.constant 0 : i32
      %sign3A_255 = arith.cmpi slt, %jit3A_242, %sign3A_254 : i32
      %sign3A_256 = arith.extui %sign3A_255 : i1 to i32
      %sign3A_257 = arith.subi %sign3A_253, %sign3A_256 : i32
      %ne3A_258 = arith.cmpi ne, %sign3A_250, %sign3A_257 : i32
      %rem3A_259 = arith.remsi %add3A_197, %jit3A_242 : i32
      %ne3A_260 = arith.constant 0 : i32
      %ne3A_261 = arith.cmpi ne, %rem3A_259, %ne3A_260 : i32
      %and3A_262 = arith.andi %ne3A_258, %ne3A_261 : i1
      %sub3A_263 = arith.constant 1 : i32
      %sub3A_264 = arith.subi %div3A_243, %sub3A_263 : i32
      %select_n3A_265 = arith.select %and3A_262, %sub3A_264, %div3A_243 : i32
      %mul3A_266 = arith.constant 200 : i32
      %mul3A_267 = arith.muli %select_n3A_265, %mul3A_266 : i32
      %add3A_268 = arith.addi %mul3A_2, %mul3A_267 : i32
      %add3A_269 = arith.constant 0 : i32
      %add3A_270 = arith.addi %add3A_268, %add3A_269 : i32
      %dma_start3A_271 = arith.constant 0 : i32
      %dma_start3A_272 = tpu.memref_slice %arg4[%add3A_270, %dma_start3A_271] : memref<819200x128xf32, #tpu.memory_space<hbm>> -> memref<104x128xf32, #tpu.memory_space<hbm>>
      %dma_start3A_273 = arith.constant 0 : i32
      %dma_start3A_274 = tpu.memref_slice %arg4[%add3A_270, %dma_start3A_273] : memref<819200x128xf32, #tpu.memory_space<hbm>> -> memref<104x128xf32, #tpu.memory_space<hbm>>
      tpu.enqueue_dma source(%arg9 : memref<104x128xf32, #tpu.memory_space<vmem>>) target(%dma_start3A_274 : memref<104x128xf32, #tpu.memory_space<hbm>>) target_semaphore(%arg17 : memref<!tpu.dma_semaphore, #tpu.memory_space<semaphore_mem>>)
      %mul3A_275 = arith.constant 4 : i32
      %mul3A_276 = arith.muli %scan3A_40, %mul3A_275 : i32
      %add3A_277 = arith.constant 3 : i32
      %add3A_278 = arith.addi %mul3A_276, %add3A_277 : i32
      %ge3A_279 = arith.constant 1 : i32
      %ge3A_280 = arith.cmpi sge, %add3A_278, %ge3A_279 : i32
      %convert_element_type3A_281 = arith.extui %ge3A_280 : i1 to i32
      %cond3A_282 = arith.constant 0 : i32
      %cond3A_283 = arith.cmpi ne, %convert_element_type3A_281, %cond3A_282 : i32
      scf.if %cond3A_283 {
        %sub3A_357 = arith.constant 1 : i32
        %sub3A_358 = arith.subi %add3A_278, %sub3A_357 : i32
        %jit3A_359 = arith.constant 2 : i32
        %div3A_360 = arith.divsi %sub3A_358, %jit3A_359 : i32
        %sign3A_361 = arith.constant 0 : i32
        %sign3A_362 = arith.cmpi sgt, %sub3A_358, %sign3A_361 : i32
        %sign3A_363 = arith.extui %sign3A_362 : i1 to i32
        %sign3A_364 = arith.constant 0 : i32
        %sign3A_365 = arith.cmpi slt, %sub3A_358, %sign3A_364 : i32
        %sign3A_366 = arith.extui %sign3A_365 : i1 to i32
        %sign3A_367 = arith.subi %sign3A_363, %sign3A_366 : i32
        %sign3A_368 = arith.constant 0 : i32
        %sign3A_369 = arith.cmpi sgt, %jit3A_359, %sign3A_368 : i32
        %sign3A_370 = arith.extui %sign3A_369 : i1 to i32
        %sign3A_371 = arith.constant 0 : i32
        %sign3A_372 = arith.cmpi slt, %jit3A_359, %sign3A_371 : i32
        %sign3A_373 = arith.extui %sign3A_372 : i1 to i32
        %sign3A_374 = arith.subi %sign3A_370, %sign3A_373 : i32
        %ne3A_375 = arith.cmpi ne, %sign3A_367, %sign3A_374 : i32
        %rem3A_376 = arith.remsi %sub3A_358, %jit3A_359 : i32
        %ne3A_377 = arith.constant 0 : i32
        %ne3A_378 = arith.cmpi ne, %rem3A_376, %ne3A_377 : i32
        %and3A_379 = arith.andi %ne3A_375, %ne3A_378 : i1
        %sub3A_380 = arith.constant 1 : i32
        %sub3A_381 = arith.subi %div3A_360, %sub3A_380 : i32
        %select_n3A_382 = arith.select %and3A_379, %sub3A_381, %div3A_360 : i32
        %mul3A_383 = arith.constant 200 : i32
        %mul3A_384 = arith.muli %select_n3A_382, %mul3A_383 : i32
        %add3A_385 = arith.addi %mul3A_2, %mul3A_384 : i32
        %add3A_386 = arith.constant 0 : i32
        %add3A_387 = arith.addi %add3A_385, %add3A_386 : i32
        %dma_wait3A_388 = arith.constant 0 : i32
        %dma_wait3A_389 = tpu.memref_slice %arg4[%add3A_387, %dma_wait3A_388] : memref<819200x128xf32, #tpu.memory_space<hbm>> -> memref<104x128xf32, #tpu.memory_space<hbm>>
        %dma_wait3A_390 = arith.constant 0 : i32
        %dma_wait3A_391 = tpu.memref_slice %arg4[%add3A_387, %dma_wait3A_390] : memref<819200x128xf32, #tpu.memory_space<hbm>> -> memref<104x128xf32, #tpu.memory_space<hbm>>
        tpu.wait_dma2 semaphore(%arg17 : memref<!tpu.dma_semaphore, #tpu.memory_space<semaphore_mem>>) src(%arg9 : memref<104x128xf32, #tpu.memory_space<vmem>>) dst(%dma_wait3A_391 : memref<104x128xf32, #tpu.memory_space<hbm>>)
      } else {
      }
      %add3A_284 = arith.constant 3 : i32
      %add3A_285 = arith.addi %add3A_278, %add3A_284 : i32
      %lt3A_286 = arith.constant 256 : i32
      %lt3A_287 = arith.cmpi slt, %add3A_285, %lt3A_286 : i32
      %convert_element_type3A_288 = arith.extui %lt3A_287 : i1 to i32
      %cond3A_289 = arith.constant 0 : i32
      %cond3A_290 = arith.cmpi ne, %convert_element_type3A_288, %cond3A_289 : i32
      scf.if %cond3A_290 {
        %add3A_357 = arith.constant 3 : i32
        %add3A_358 = arith.addi %add3A_278, %add3A_357 : i32
        %jit3A_359 = arith.constant 2 : i32
        %div3A_360 = arith.divsi %add3A_358, %jit3A_359 : i32
        %sign3A_361 = arith.constant 0 : i32
        %sign3A_362 = arith.cmpi sgt, %add3A_358, %sign3A_361 : i32
        %sign3A_363 = arith.extui %sign3A_362 : i1 to i32
        %sign3A_364 = arith.constant 0 : i32
        %sign3A_365 = arith.cmpi slt, %add3A_358, %sign3A_364 : i32
        %sign3A_366 = arith.extui %sign3A_365 : i1 to i32
        %sign3A_367 = arith.subi %sign3A_363, %sign3A_366 : i32
        %sign3A_368 = arith.constant 0 : i32
        %sign3A_369 = arith.cmpi sgt, %jit3A_359, %sign3A_368 : i32
        %sign3A_370 = arith.extui %sign3A_369 : i1 to i32
        %sign3A_371 = arith.constant 0 : i32
        %sign3A_372 = arith.cmpi slt, %jit3A_359, %sign3A_371 : i32
        %sign3A_373 = arith.extui %sign3A_372 : i1 to i32
        %sign3A_374 = arith.subi %sign3A_370, %sign3A_373 : i32
        %ne3A_375 = arith.cmpi ne, %sign3A_367, %sign3A_374 : i32
        %rem3A_376 = arith.remsi %add3A_358, %jit3A_359 : i32
        %ne3A_377 = arith.constant 0 : i32
        %ne3A_378 = arith.cmpi ne, %rem3A_376, %ne3A_377 : i32
        %and3A_379 = arith.andi %ne3A_375, %ne3A_378 : i1
        %sub3A_380 = arith.constant 1 : i32
        %sub3A_381 = arith.subi %div3A_360, %sub3A_380 : i32
        %select_n3A_382 = arith.select %and3A_379, %sub3A_381, %div3A_360 : i32
        %mul3A_383 = arith.constant 256 : i32
        %mul3A_384 = arith.muli %select_n3A_382, %mul3A_383 : i32
        %add3A_385 = arith.constant 0 : i32
        %add3A_386 = arith.addi %mul3A_384, %add3A_385 : i32
        %dma_start3A_387 = tpu.memref_slice %arg6[%add3A_386] : memref<32768xi32, #tpu.memory_space<vmem>> -> memref<104xi32, #tpu.memory_space<vmem>>
        %dma_start3A_388 = arith.constant 0 : i32
        %dma_start3A_389 = arith.constant 0 : i32
        %dma_start3A_390 = tpu.memref_slice %arg5[%dma_start3A_388, %dma_start3A_389] : memref<768x128xf32, #tpu.memory_space<vmem_shared>> -> memref<768x128xf32, #tpu.memory_space<vmem_shared>>
        tpu.enqueue_indirect_dma source(%dma_start3A_390 : memref<768x128xf32, #tpu.memory_space<vmem_shared>>) target(%arg9 : memref<104x128xf32, #tpu.memory_space<vmem>>) offsets(%dma_start3A_387 : memref<104xi32, #tpu.memory_space<vmem>>) semaphore(%arg13 : memref<!tpu.dma_semaphore, #tpu.memory_space<semaphore_mem>>)
      } else {
      }
      %jit3A_291 = arith.constant 2 : i32
      %div3A_292 = arith.divsi %add3A_278, %jit3A_291 : i32
      %sign3A_293 = arith.constant 0 : i32
      %sign3A_294 = arith.cmpi sgt, %add3A_278, %sign3A_293 : i32
      %sign3A_295 = arith.extui %sign3A_294 : i1 to i32
      %sign3A_296 = arith.constant 0 : i32
      %sign3A_297 = arith.cmpi slt, %add3A_278, %sign3A_296 : i32
      %sign3A_298 = arith.extui %sign3A_297 : i1 to i32
      %sign3A_299 = arith.subi %sign3A_295, %sign3A_298 : i32
      %sign3A_300 = arith.constant 0 : i32
      %sign3A_301 = arith.cmpi sgt, %jit3A_291, %sign3A_300 : i32
      %sign3A_302 = arith.extui %sign3A_301 : i1 to i32
      %sign3A_303 = arith.constant 0 : i32
      %sign3A_304 = arith.cmpi slt, %jit3A_291, %sign3A_303 : i32
      %sign3A_305 = arith.extui %sign3A_304 : i1 to i32
      %sign3A_306 = arith.subi %sign3A_302, %sign3A_305 : i32
      %ne3A_307 = arith.cmpi ne, %sign3A_299, %sign3A_306 : i32
      %rem3A_308 = arith.remsi %add3A_278, %jit3A_291 : i32
      %ne3A_309 = arith.constant 0 : i32
      %ne3A_310 = arith.cmpi ne, %rem3A_308, %ne3A_309 : i32
      %and3A_311 = arith.andi %ne3A_307, %ne3A_310 : i1
      %sub3A_312 = arith.constant 1 : i32
      %sub3A_313 = arith.subi %div3A_292, %sub3A_312 : i32
      %select_n3A_314 = arith.select %and3A_311, %sub3A_313, %div3A_292 : i32
      %mul3A_315 = arith.constant 256 : i32
      %mul3A_316 = arith.muli %select_n3A_314, %mul3A_315 : i32
      %add3A_317 = arith.constant 104 : i32
      %add3A_318 = arith.addi %mul3A_316, %add3A_317 : i32
      %dma_wait3A_319 = tpu.memref_slice %arg6[%add3A_318] : memref<32768xi32, #tpu.memory_space<vmem>> -> memref<96xi32, #tpu.memory_space<vmem>>
      %dma_wait3A_320 = arith.constant 0 : i32
      %dma_wait3A_321 = arith.constant 0 : i32
      %dma_wait3A_322 = tpu.memref_slice %arg2[%dma_wait3A_320, %dma_wait3A_321] : memref<768x128xf32, #tpu.memory_space<hbm>> -> memref<768x128xf32, #tpu.memory_space<hbm>>
      tpu.wait_indirect_dma semaphore(%arg14 : memref<!tpu.dma_semaphore, #tpu.memory_space<semaphore_mem>>) src(%dma_wait3A_322 : memref<768x128xf32, #tpu.memory_space<hbm>>) dst(%arg10 : memref<96x128xf32, #tpu.memory_space<vmem>>)
      %jit3A_323 = arith.constant 2 : i32
      %div3A_324 = arith.divsi %add3A_278, %jit3A_323 : i32
      %sign3A_325 = arith.constant 0 : i32
      %sign3A_326 = arith.cmpi sgt, %add3A_278, %sign3A_325 : i32
      %sign3A_327 = arith.extui %sign3A_326 : i1 to i32
      %sign3A_328 = arith.constant 0 : i32
      %sign3A_329 = arith.cmpi slt, %add3A_278, %sign3A_328 : i32
      %sign3A_330 = arith.extui %sign3A_329 : i1 to i32
      %sign3A_331 = arith.subi %sign3A_327, %sign3A_330 : i32
      %sign3A_332 = arith.constant 0 : i32
      %sign3A_333 = arith.cmpi sgt, %jit3A_323, %sign3A_332 : i32
      %sign3A_334 = arith.extui %sign3A_333 : i1 to i32
      %sign3A_335 = arith.constant 0 : i32
      %sign3A_336 = arith.cmpi slt, %jit3A_323, %sign3A_335 : i32
      %sign3A_337 = arith.extui %sign3A_336 : i1 to i32
      %sign3A_338 = arith.subi %sign3A_334, %sign3A_337 : i32
      %ne3A_339 = arith.cmpi ne, %sign3A_331, %sign3A_338 : i32
      %rem3A_340 = arith.remsi %add3A_278, %jit3A_323 : i32
      %ne3A_341 = arith.constant 0 : i32
      %ne3A_342 = arith.cmpi ne, %rem3A_340, %ne3A_341 : i32
      %and3A_343 = arith.andi %ne3A_339, %ne3A_342 : i1
      %sub3A_344 = arith.constant 1 : i32
      %sub3A_345 = arith.subi %div3A_324, %sub3A_344 : i32
      %select_n3A_346 = arith.select %and3A_343, %sub3A_345, %div3A_324 : i32
      %mul3A_347 = arith.constant 200 : i32
      %mul3A_348 = arith.muli %select_n3A_346, %mul3A_347 : i32
      %add3A_349 = arith.addi %mul3A_2, %mul3A_348 : i32
      %add3A_350 = arith.constant 104 : i32
      %add3A_351 = arith.addi %add3A_349, %add3A_350 : i32
      %dma_start3A_352 = arith.constant 0 : i32
      %dma_start3A_353 = tpu.memref_slice %arg4[%add3A_351, %dma_start3A_352] : memref<819200x128xf32, #tpu.memory_space<hbm>> -> memref<96x128xf32, #tpu.memory_space<hbm>>
      %dma_start3A_354 = arith.constant 0 : i32
      %dma_start3A_355 = tpu.memref_slice %arg4[%add3A_351, %dma_start3A_354] : memref<819200x128xf32, #tpu.memory_space<hbm>> -> memref<96x128xf32, #tpu.memory_space<hbm>>
      tpu.enqueue_dma source(%arg10 : memref<96x128xf32, #tpu.memory_space<vmem>>) target(%dma_start3A_355 : memref<96x128xf32, #tpu.memory_space<hbm>>) target_semaphore(%arg18 : memref<!tpu.dma_semaphore, #tpu.memory_space<semaphore_mem>>)
      %scan3A_356 = arith.constant 0 : i32
      scf.yield %scan3A_356 : i32
    }
    %scan3A_31 = arith.constant 64 : i32
    %add3A_32 = arith.constant 25400 : i32
    %add3A_33 = arith.addi %mul3A_2, %add3A_32 : i32
    %add3A_34 = arith.constant 104 : i32
    %add3A_35 = arith.addi %add3A_33, %add3A_34 : i32
    %dma_wait3A_36 = arith.constant 0 : i32
    %dma_wait3A_37 = tpu.memref_slice %arg4[%add3A_35, %dma_wait3A_36] : memref<819200x128xf32, #tpu.memory_space<hbm>> -> memref<96x128xf32, #tpu.memory_space<hbm>>
    %dma_wait3A_38 = arith.constant 0 : i32
    %dma_wait3A_39 = tpu.memref_slice %arg4[%add3A_35, %dma_wait3A_38] : memref<819200x128xf32, #tpu.memory_space<hbm>> -> memref<96x128xf32, #tpu.memory_space<hbm>>
    tpu.wait_dma2 semaphore(%arg18 : memref<!tpu.dma_semaphore, #tpu.memory_space<semaphore_mem>>) src(%arg10 : memref<96x128xf32, #tpu.memory_space<vmem>>) dst(%dma_wait3A_39 : memref<96x128xf32, #tpu.memory_space<hbm>>)
    return
  }
}

module attributes {stable_mosaic.version = 14 : i64} {
  func.func @body(%arg0: i32, %arg1: memref<4096x256xi32, #tpu.memory_space<vmem>>, %arg2: memref<4096x256xi32, #tpu.memory_space<vmem>>, %arg3: memref<4x128xf32, #tpu.memory_space<vmem>>, %arg4: memref<24x128xf32, #tpu.memory_space<vmem>>, %arg5: memref<7x128xf32, #tpu.memory_space<vmem>>, %arg6: memref<768x128xf32, #tpu.memory_space<vmem>>, %arg7: memref<1048576xi32, #tpu.memory_space<vmem>>) attributes {dimension_semantics = [#tpu.dimension_semantics<arbitrary>], iteration_bounds = array<i64: 1>, scalar_prefetch = 0 : i64, scratch_operands = 0 : i64, tpu.core_type = #tpu.core_type<tc>, window_params = [{transform_indices = @transform_0, window_bounds = array<i64: 4096, 256>}, {transform_indices = @transform_1, window_bounds = array<i64: 4096, 256>}, {pipeline_mode = #tpu.pipeline_mode<synchronous>, transform_indices = @transform_2, window_bounds = array<i64: 4, 128>}, {pipeline_mode = #tpu.pipeline_mode<synchronous>, transform_indices = @transform_3, window_bounds = array<i64: 24, 128>}, {pipeline_mode = #tpu.pipeline_mode<synchronous>, transform_indices = @transform_4, window_bounds = array<i64: 7, 128>}, {pipeline_mode = #tpu.pipeline_mode<synchronous>, transform_indices = @transform_5, window_bounds = array<i64: 768, 128>}, {pipeline_mode = #tpu.pipeline_mode<synchronous>, transform_indices = @transform_6, window_bounds = array<i64: 1048576>}]} {
    %iota3A = tpu.iota {dimensions = array<i32: 0>} : vector<768x1xi32>
    %jit3A = arith.constant 32 : i32
    %div3A = vector.broadcast %jit3A : i32 to vector<768x1xi32>
    %div3A_0 = arith.divsi %iota3A, %div3A : vector<768x1xi32>
    %sign3A = arith.constant 0 : i32
    %sign3A_1 = vector.broadcast %sign3A : i32 to vector<768x1xi32>
    %sign3A_2 = arith.cmpi sgt, %iota3A, %sign3A_1 : vector<768x1xi32>
    %sign3A_3 = arith.extui %sign3A_2 : vector<768x1xi1> to vector<768x1xi32>
    %sign3A_4 = arith.constant 0 : i32
    %sign3A_5 = vector.broadcast %sign3A_4 : i32 to vector<768x1xi32>
    %sign3A_6 = arith.cmpi slt, %iota3A, %sign3A_5 : vector<768x1xi32>
    %sign3A_7 = arith.extui %sign3A_6 : vector<768x1xi1> to vector<768x1xi32>
    %sign3A_8 = arith.subi %sign3A_3, %sign3A_7 : vector<768x1xi32>
    %sign3A_9 = arith.constant 0 : i32
    %sign3A_10 = arith.cmpi sgt, %jit3A, %sign3A_9 : i32
    %sign3A_11 = arith.extui %sign3A_10 : i1 to i32
    %sign3A_12 = arith.constant 0 : i32
    %sign3A_13 = arith.cmpi slt, %jit3A, %sign3A_12 : i32
    %sign3A_14 = arith.extui %sign3A_13 : i1 to i32
    %sign3A_15 = arith.subi %sign3A_11, %sign3A_14 : i32
    %ne3A = vector.broadcast %sign3A_15 : i32 to vector<768x1xi32>
    %ne3A_16 = arith.cmpi ne, %sign3A_8, %ne3A : vector<768x1xi32>
    %rem3A = vector.broadcast %jit3A : i32 to vector<768x1xi32>
    %rem3A_17 = arith.remsi %iota3A, %rem3A : vector<768x1xi32>
    %ne3A_18 = arith.constant 0 : i32
    %ne3A_19 = vector.broadcast %ne3A_18 : i32 to vector<768x1xi32>
    %ne3A_20 = arith.cmpi ne, %rem3A_17, %ne3A_19 : vector<768x1xi32>
    %and3A = arith.andi %ne3A_16, %ne3A_20 : vector<768x1xi1>
    %sub3A = arith.constant 1 : i32
    %sub3A_21 = vector.broadcast %sub3A : i32 to vector<768x1xi32>
    %sub3A_22 = arith.subi %div3A_0, %sub3A_21 : vector<768x1xi32>
    %select_n3A = arith.select %and3A, %sub3A_22, %div3A_0 : vector<768x1xi1>, vector<768x1xi32>
    %jit3A_23 = arith.constant 8 : i32
    %div3A_24 = vector.broadcast %jit3A_23 : i32 to vector<768x1xi32>
    %div3A_25 = arith.divsi %iota3A, %div3A_24 : vector<768x1xi32>
    %sign3A_26 = arith.constant 0 : i32
    %sign3A_27 = vector.broadcast %sign3A_26 : i32 to vector<768x1xi32>
    %sign3A_28 = arith.cmpi sgt, %iota3A, %sign3A_27 : vector<768x1xi32>
    %sign3A_29 = arith.extui %sign3A_28 : vector<768x1xi1> to vector<768x1xi32>
    %sign3A_30 = arith.constant 0 : i32
    %sign3A_31 = vector.broadcast %sign3A_30 : i32 to vector<768x1xi32>
    %sign3A_32 = arith.cmpi slt, %iota3A, %sign3A_31 : vector<768x1xi32>
    %sign3A_33 = arith.extui %sign3A_32 : vector<768x1xi1> to vector<768x1xi32>
    %sign3A_34 = arith.subi %sign3A_29, %sign3A_33 : vector<768x1xi32>
    %sign3A_35 = arith.constant 0 : i32
    %sign3A_36 = arith.cmpi sgt, %jit3A_23, %sign3A_35 : i32
    %sign3A_37 = arith.extui %sign3A_36 : i1 to i32
    %sign3A_38 = arith.constant 0 : i32
    %sign3A_39 = arith.cmpi slt, %jit3A_23, %sign3A_38 : i32
    %sign3A_40 = arith.extui %sign3A_39 : i1 to i32
    %sign3A_41 = arith.subi %sign3A_37, %sign3A_40 : i32
    %ne3A_42 = vector.broadcast %sign3A_41 : i32 to vector<768x1xi32>
    %ne3A_43 = arith.cmpi ne, %sign3A_34, %ne3A_42 : vector<768x1xi32>
    %rem3A_44 = vector.broadcast %jit3A_23 : i32 to vector<768x1xi32>
    %rem3A_45 = arith.remsi %iota3A, %rem3A_44 : vector<768x1xi32>
    %ne3A_46 = arith.constant 0 : i32
    %ne3A_47 = vector.broadcast %ne3A_46 : i32 to vector<768x1xi32>
    %ne3A_48 = arith.cmpi ne, %rem3A_45, %ne3A_47 : vector<768x1xi32>
    %and3A_49 = arith.andi %ne3A_43, %ne3A_48 : vector<768x1xi1>
    %sub3A_50 = arith.constant 1 : i32
    %sub3A_51 = vector.broadcast %sub3A_50 : i32 to vector<768x1xi32>
    %sub3A_52 = arith.subi %div3A_25, %sub3A_51 : vector<768x1xi32>
    %select_n3A_53 = arith.select %and3A_49, %sub3A_52, %div3A_25 : vector<768x1xi1>, vector<768x1xi32>
    %jit3A_54 = arith.constant 4 : i32
    %eq3A = arith.constant 0 : i32
    %eq3A_55 = arith.cmpi eq, %jit3A_54, %eq3A : i32
    %jit3A_56 = arith.constant 1 : i32
    %select_n3A_57 = arith.select %eq3A_55, %jit3A_56, %jit3A_54 : i32
    %rem3A_58 = vector.broadcast %select_n3A_57 : i32 to vector<768x1xi32>
    %rem3A_59 = arith.remsi %select_n3A_53, %rem3A_58 : vector<768x1xi32>
    %ne3A_60 = arith.constant 0 : i32
    %ne3A_61 = vector.broadcast %ne3A_60 : i32 to vector<768x1xi32>
    %ne3A_62 = arith.cmpi ne, %rem3A_59, %ne3A_61 : vector<768x1xi32>
    %lt3A = arith.constant 0 : i32
    %lt3A_63 = vector.broadcast %lt3A : i32 to vector<768x1xi32>
    %lt3A_64 = arith.cmpi slt, %rem3A_59, %lt3A_63 : vector<768x1xi32>
    %lt3A_65 = arith.constant 0 : i32
    %lt3A_66 = arith.cmpi slt, %select_n3A_57, %lt3A_65 : i32
    %ne3A_67 = vector.broadcast %lt3A_66 : i1 to vector<768x1xi1>
    %ne3A_68 = vector.broadcast %ne3A_67 : vector<768x1xi1> to vector<768x1xi1>
    %ne3A_69 = arith.xori %lt3A_64, %ne3A_68 : vector<768x1xi1>
    %and3A_70 = arith.andi %ne3A_69, %ne3A_62 : vector<768x1xi1>
    %add3A = vector.broadcast %select_n3A_57 : i32 to vector<768x1xi32>
    %add3A_71 = arith.addi %rem3A_59, %add3A : vector<768x1xi32>
    %select_n3A_72 = arith.select %and3A_70, %add3A_71, %rem3A_59 : vector<768x1xi1>, vector<768x1xi32>
    %jit3A_73 = arith.constant 8 : i32
    %eq3A_74 = arith.constant 0 : i32
    %eq3A_75 = arith.cmpi eq, %jit3A_73, %eq3A_74 : i32
    %jit3A_76 = arith.constant 1 : i32
    %select_n3A_77 = arith.select %eq3A_75, %jit3A_76, %jit3A_73 : i32
    %rem3A_78 = vector.broadcast %select_n3A_77 : i32 to vector<768x1xi32>
    %rem3A_79 = arith.remsi %iota3A, %rem3A_78 : vector<768x1xi32>
    %ne3A_80 = arith.constant 0 : i32
    %ne3A_81 = vector.broadcast %ne3A_80 : i32 to vector<768x1xi32>
    %ne3A_82 = arith.cmpi ne, %rem3A_79, %ne3A_81 : vector<768x1xi32>
    %lt3A_83 = arith.constant 0 : i32
    %lt3A_84 = vector.broadcast %lt3A_83 : i32 to vector<768x1xi32>
    %lt3A_85 = arith.cmpi slt, %rem3A_79, %lt3A_84 : vector<768x1xi32>
    %lt3A_86 = arith.constant 0 : i32
    %lt3A_87 = arith.cmpi slt, %select_n3A_77, %lt3A_86 : i32
    %ne3A_88 = vector.broadcast %lt3A_87 : i1 to vector<768x1xi1>
    %ne3A_89 = vector.broadcast %ne3A_88 : vector<768x1xi1> to vector<768x1xi1>
    %ne3A_90 = arith.xori %lt3A_85, %ne3A_89 : vector<768x1xi1>
    %and3A_91 = arith.andi %ne3A_90, %ne3A_82 : vector<768x1xi1>
    %add3A_92 = vector.broadcast %select_n3A_77 : i32 to vector<768x1xi32>
    %add3A_93 = arith.addi %rem3A_79, %add3A_92 : vector<768x1xi32>
    %select_n3A_94 = arith.select %and3A_91, %add3A_93, %rem3A_79 : vector<768x1xi1>, vector<768x1xi32>
    %broadcast_in_dim3A = arith.constant 0.000000e+00 : f32
    %broadcast_in_dim3A_95 = vector.broadcast %broadcast_in_dim3A : f32 to vector<768x128xf32>
    %eq3A_96 = arith.constant 0 : i32
    %eq3A_97 = vector.broadcast %eq3A_96 : i32 to vector<768x1xi32>
    %eq3A_98 = arith.cmpi eq, %select_n3A, %eq3A_97 : vector<768x1xi32>
    %get3A = arith.constant 0 : index
    %get3A_99 = arith.constant 0 : index
    %get3A_100 = vector.load %arg4[%get3A, %get3A_99] : memref<24x128xf32, #tpu.memory_space<vmem>>, vector<1x128xf32>
    %get3A_101 = vector.shape_cast %get3A_100 : vector<1x128xf32> to vector<128xf32>
    %broadcast_in_dim3A_102 = vector.shape_cast %get3A_101 : vector<128xf32> to vector<1x128xf32>
    %broadcast_in_dim3A_103 = vector.shape_cast %eq3A_98 : vector<768x1xi1> to vector<768x1xi1>
    %broadcast_in_dim3A_104 = vector.broadcast %broadcast_in_dim3A_103 : vector<768x1xi1> to vector<768x128xi1>
    %broadcast_in_dim3A_105 = vector.shape_cast %broadcast_in_dim3A_102 : vector<1x128xf32> to vector<1x128xf32>
    %broadcast_in_dim3A_106 = vector.broadcast %broadcast_in_dim3A_105 : vector<1x128xf32> to vector<768x128xf32>
    %select_n3A_107 = arith.select %broadcast_in_dim3A_104, %broadcast_in_dim3A_106, %broadcast_in_dim3A_95 : vector<768x128xi1>, vector<768x128xf32>
    %eq3A_108 = arith.constant 1 : i32
    %eq3A_109 = vector.broadcast %eq3A_108 : i32 to vector<768x1xi32>
    %eq3A_110 = arith.cmpi eq, %select_n3A, %eq3A_109 : vector<768x1xi32>
    %get3A_111 = arith.constant 1 : index
    %get3A_112 = arith.constant 0 : index
    %get3A_113 = vector.load %arg4[%get3A_111, %get3A_112] : memref<24x128xf32, #tpu.memory_space<vmem>>, vector<1x128xf32>
    %get3A_114 = vector.shape_cast %get3A_113 : vector<1x128xf32> to vector<128xf32>
    %broadcast_in_dim3A_115 = vector.shape_cast %get3A_114 : vector<128xf32> to vector<1x128xf32>
    %broadcast_in_dim3A_116 = vector.shape_cast %eq3A_110 : vector<768x1xi1> to vector<768x1xi1>
    %broadcast_in_dim3A_117 = vector.broadcast %broadcast_in_dim3A_116 : vector<768x1xi1> to vector<768x128xi1>
    %broadcast_in_dim3A_118 = vector.shape_cast %broadcast_in_dim3A_115 : vector<1x128xf32> to vector<1x128xf32>
    %broadcast_in_dim3A_119 = vector.broadcast %broadcast_in_dim3A_118 : vector<1x128xf32> to vector<768x128xf32>
    %select_n3A_120 = arith.select %broadcast_in_dim3A_117, %broadcast_in_dim3A_119, %select_n3A_107 : vector<768x128xi1>, vector<768x128xf32>
    %eq3A_121 = arith.constant 2 : i32
    %eq3A_122 = vector.broadcast %eq3A_121 : i32 to vector<768x1xi32>
    %eq3A_123 = arith.cmpi eq, %select_n3A, %eq3A_122 : vector<768x1xi32>
    %get3A_124 = arith.constant 2 : index
    %get3A_125 = arith.constant 0 : index
    %get3A_126 = vector.load %arg4[%get3A_124, %get3A_125] : memref<24x128xf32, #tpu.memory_space<vmem>>, vector<1x128xf32>
    %get3A_127 = vector.shape_cast %get3A_126 : vector<1x128xf32> to vector<128xf32>
    %broadcast_in_dim3A_128 = vector.shape_cast %get3A_127 : vector<128xf32> to vector<1x128xf32>
    %broadcast_in_dim3A_129 = vector.shape_cast %eq3A_123 : vector<768x1xi1> to vector<768x1xi1>
    %broadcast_in_dim3A_130 = vector.broadcast %broadcast_in_dim3A_129 : vector<768x1xi1> to vector<768x128xi1>
    %broadcast_in_dim3A_131 = vector.shape_cast %broadcast_in_dim3A_128 : vector<1x128xf32> to vector<1x128xf32>
    %broadcast_in_dim3A_132 = vector.broadcast %broadcast_in_dim3A_131 : vector<1x128xf32> to vector<768x128xf32>
    %select_n3A_133 = arith.select %broadcast_in_dim3A_130, %broadcast_in_dim3A_132, %select_n3A_120 : vector<768x128xi1>, vector<768x128xf32>
    %eq3A_134 = arith.constant 3 : i32
    %eq3A_135 = vector.broadcast %eq3A_134 : i32 to vector<768x1xi32>
    %eq3A_136 = arith.cmpi eq, %select_n3A, %eq3A_135 : vector<768x1xi32>
    %get3A_137 = arith.constant 3 : index
    %get3A_138 = arith.constant 0 : index
    %get3A_139 = vector.load %arg4[%get3A_137, %get3A_138] : memref<24x128xf32, #tpu.memory_space<vmem>>, vector<1x128xf32>
    %get3A_140 = vector.shape_cast %get3A_139 : vector<1x128xf32> to vector<128xf32>
    %broadcast_in_dim3A_141 = vector.shape_cast %get3A_140 : vector<128xf32> to vector<1x128xf32>
    %broadcast_in_dim3A_142 = vector.shape_cast %eq3A_136 : vector<768x1xi1> to vector<768x1xi1>
    %broadcast_in_dim3A_143 = vector.broadcast %broadcast_in_dim3A_142 : vector<768x1xi1> to vector<768x128xi1>
    %broadcast_in_dim3A_144 = vector.shape_cast %broadcast_in_dim3A_141 : vector<1x128xf32> to vector<1x128xf32>
    %broadcast_in_dim3A_145 = vector.broadcast %broadcast_in_dim3A_144 : vector<1x128xf32> to vector<768x128xf32>
    %select_n3A_146 = arith.select %broadcast_in_dim3A_143, %broadcast_in_dim3A_145, %select_n3A_133 : vector<768x128xi1>, vector<768x128xf32>
    %eq3A_147 = arith.constant 4 : i32
    %eq3A_148 = vector.broadcast %eq3A_147 : i32 to vector<768x1xi32>
    %eq3A_149 = arith.cmpi eq, %select_n3A, %eq3A_148 : vector<768x1xi32>
    %get3A_150 = arith.constant 4 : index
    %get3A_151 = arith.constant 0 : index
    %get3A_152 = vector.load %arg4[%get3A_150, %get3A_151] : memref<24x128xf32, #tpu.memory_space<vmem>>, vector<1x128xf32>
    %get3A_153 = vector.shape_cast %get3A_152 : vector<1x128xf32> to vector<128xf32>
    %broadcast_in_dim3A_154 = vector.shape_cast %get3A_153 : vector<128xf32> to vector<1x128xf32>
    %broadcast_in_dim3A_155 = vector.shape_cast %eq3A_149 : vector<768x1xi1> to vector<768x1xi1>
    %broadcast_in_dim3A_156 = vector.broadcast %broadcast_in_dim3A_155 : vector<768x1xi1> to vector<768x128xi1>
    %broadcast_in_dim3A_157 = vector.shape_cast %broadcast_in_dim3A_154 : vector<1x128xf32> to vector<1x128xf32>
    %broadcast_in_dim3A_158 = vector.broadcast %broadcast_in_dim3A_157 : vector<1x128xf32> to vector<768x128xf32>
    %select_n3A_159 = arith.select %broadcast_in_dim3A_156, %broadcast_in_dim3A_158, %select_n3A_146 : vector<768x128xi1>, vector<768x128xf32>
    %eq3A_160 = arith.constant 5 : i32
    %eq3A_161 = vector.broadcast %eq3A_160 : i32 to vector<768x1xi32>
    %eq3A_162 = arith.cmpi eq, %select_n3A, %eq3A_161 : vector<768x1xi32>
    %get3A_163 = arith.constant 5 : index
    %get3A_164 = arith.constant 0 : index
    %get3A_165 = vector.load %arg4[%get3A_163, %get3A_164] : memref<24x128xf32, #tpu.memory_space<vmem>>, vector<1x128xf32>
    %get3A_166 = vector.shape_cast %get3A_165 : vector<1x128xf32> to vector<128xf32>
    %broadcast_in_dim3A_167 = vector.shape_cast %get3A_166 : vector<128xf32> to vector<1x128xf32>
    %broadcast_in_dim3A_168 = vector.shape_cast %eq3A_162 : vector<768x1xi1> to vector<768x1xi1>
    %broadcast_in_dim3A_169 = vector.broadcast %broadcast_in_dim3A_168 : vector<768x1xi1> to vector<768x128xi1>
    %broadcast_in_dim3A_170 = vector.shape_cast %broadcast_in_dim3A_167 : vector<1x128xf32> to vector<1x128xf32>
    %broadcast_in_dim3A_171 = vector.broadcast %broadcast_in_dim3A_170 : vector<1x128xf32> to vector<768x128xf32>
    %select_n3A_172 = arith.select %broadcast_in_dim3A_169, %broadcast_in_dim3A_171, %select_n3A_159 : vector<768x128xi1>, vector<768x128xf32>
    %eq3A_173 = arith.constant 6 : i32
    %eq3A_174 = vector.broadcast %eq3A_173 : i32 to vector<768x1xi32>
    %eq3A_175 = arith.cmpi eq, %select_n3A, %eq3A_174 : vector<768x1xi32>
    %get3A_176 = arith.constant 6 : index
    %get3A_177 = arith.constant 0 : index
    %get3A_178 = vector.load %arg4[%get3A_176, %get3A_177] : memref<24x128xf32, #tpu.memory_space<vmem>>, vector<1x128xf32>
    %get3A_179 = vector.shape_cast %get3A_178 : vector<1x128xf32> to vector<128xf32>
    %broadcast_in_dim3A_180 = vector.shape_cast %get3A_179 : vector<128xf32> to vector<1x128xf32>
    %broadcast_in_dim3A_181 = vector.shape_cast %eq3A_175 : vector<768x1xi1> to vector<768x1xi1>
    %broadcast_in_dim3A_182 = vector.broadcast %broadcast_in_dim3A_181 : vector<768x1xi1> to vector<768x128xi1>
    %broadcast_in_dim3A_183 = vector.shape_cast %broadcast_in_dim3A_180 : vector<1x128xf32> to vector<1x128xf32>
    %broadcast_in_dim3A_184 = vector.broadcast %broadcast_in_dim3A_183 : vector<1x128xf32> to vector<768x128xf32>
    %select_n3A_185 = arith.select %broadcast_in_dim3A_182, %broadcast_in_dim3A_184, %select_n3A_172 : vector<768x128xi1>, vector<768x128xf32>
    %eq3A_186 = arith.constant 7 : i32
    %eq3A_187 = vector.broadcast %eq3A_186 : i32 to vector<768x1xi32>
    %eq3A_188 = arith.cmpi eq, %select_n3A, %eq3A_187 : vector<768x1xi32>
    %get3A_189 = arith.constant 7 : index
    %get3A_190 = arith.constant 0 : index
    %get3A_191 = vector.load %arg4[%get3A_189, %get3A_190] : memref<24x128xf32, #tpu.memory_space<vmem>>, vector<1x128xf32>
    %get3A_192 = vector.shape_cast %get3A_191 : vector<1x128xf32> to vector<128xf32>
    %broadcast_in_dim3A_193 = vector.shape_cast %get3A_192 : vector<128xf32> to vector<1x128xf32>
    %broadcast_in_dim3A_194 = vector.shape_cast %eq3A_188 : vector<768x1xi1> to vector<768x1xi1>
    %broadcast_in_dim3A_195 = vector.broadcast %broadcast_in_dim3A_194 : vector<768x1xi1> to vector<768x128xi1>
    %broadcast_in_dim3A_196 = vector.shape_cast %broadcast_in_dim3A_193 : vector<1x128xf32> to vector<1x128xf32>
    %broadcast_in_dim3A_197 = vector.broadcast %broadcast_in_dim3A_196 : vector<1x128xf32> to vector<768x128xf32>
    %select_n3A_198 = arith.select %broadcast_in_dim3A_195, %broadcast_in_dim3A_197, %select_n3A_185 : vector<768x128xi1>, vector<768x128xf32>
    %eq3A_199 = arith.constant 8 : i32
    %eq3A_200 = vector.broadcast %eq3A_199 : i32 to vector<768x1xi32>
    %eq3A_201 = arith.cmpi eq, %select_n3A, %eq3A_200 : vector<768x1xi32>
    %get3A_202 = arith.constant 8 : index
    %get3A_203 = arith.constant 0 : index
    %get3A_204 = vector.load %arg4[%get3A_202, %get3A_203] : memref<24x128xf32, #tpu.memory_space<vmem>>, vector<1x128xf32>
    %get3A_205 = vector.shape_cast %get3A_204 : vector<1x128xf32> to vector<128xf32>
    %broadcast_in_dim3A_206 = vector.shape_cast %get3A_205 : vector<128xf32> to vector<1x128xf32>
    %broadcast_in_dim3A_207 = vector.shape_cast %eq3A_201 : vector<768x1xi1> to vector<768x1xi1>
    %broadcast_in_dim3A_208 = vector.broadcast %broadcast_in_dim3A_207 : vector<768x1xi1> to vector<768x128xi1>
    %broadcast_in_dim3A_209 = vector.shape_cast %broadcast_in_dim3A_206 : vector<1x128xf32> to vector<1x128xf32>
    %broadcast_in_dim3A_210 = vector.broadcast %broadcast_in_dim3A_209 : vector<1x128xf32> to vector<768x128xf32>
    %select_n3A_211 = arith.select %broadcast_in_dim3A_208, %broadcast_in_dim3A_210, %select_n3A_198 : vector<768x128xi1>, vector<768x128xf32>
    %eq3A_212 = arith.constant 9 : i32
    %eq3A_213 = vector.broadcast %eq3A_212 : i32 to vector<768x1xi32>
    %eq3A_214 = arith.cmpi eq, %select_n3A, %eq3A_213 : vector<768x1xi32>
    %get3A_215 = arith.constant 9 : index
    %get3A_216 = arith.constant 0 : index
    %get3A_217 = vector.load %arg4[%get3A_215, %get3A_216] : memref<24x128xf32, #tpu.memory_space<vmem>>, vector<1x128xf32>
    %get3A_218 = vector.shape_cast %get3A_217 : vector<1x128xf32> to vector<128xf32>
    %broadcast_in_dim3A_219 = vector.shape_cast %get3A_218 : vector<128xf32> to vector<1x128xf32>
    %broadcast_in_dim3A_220 = vector.shape_cast %eq3A_214 : vector<768x1xi1> to vector<768x1xi1>
    %broadcast_in_dim3A_221 = vector.broadcast %broadcast_in_dim3A_220 : vector<768x1xi1> to vector<768x128xi1>
    %broadcast_in_dim3A_222 = vector.shape_cast %broadcast_in_dim3A_219 : vector<1x128xf32> to vector<1x128xf32>
    %broadcast_in_dim3A_223 = vector.broadcast %broadcast_in_dim3A_222 : vector<1x128xf32> to vector<768x128xf32>
    %select_n3A_224 = arith.select %broadcast_in_dim3A_221, %broadcast_in_dim3A_223, %select_n3A_211 : vector<768x128xi1>, vector<768x128xf32>
    %eq3A_225 = arith.constant 10 : i32
    %eq3A_226 = vector.broadcast %eq3A_225 : i32 to vector<768x1xi32>
    %eq3A_227 = arith.cmpi eq, %select_n3A, %eq3A_226 : vector<768x1xi32>
    %get3A_228 = arith.constant 10 : index
    %get3A_229 = arith.constant 0 : index
    %get3A_230 = vector.load %arg4[%get3A_228, %get3A_229] : memref<24x128xf32, #tpu.memory_space<vmem>>, vector<1x128xf32>
    %get3A_231 = vector.shape_cast %get3A_230 : vector<1x128xf32> to vector<128xf32>
    %broadcast_in_dim3A_232 = vector.shape_cast %get3A_231 : vector<128xf32> to vector<1x128xf32>
    %broadcast_in_dim3A_233 = vector.shape_cast %eq3A_227 : vector<768x1xi1> to vector<768x1xi1>
    %broadcast_in_dim3A_234 = vector.broadcast %broadcast_in_dim3A_233 : vector<768x1xi1> to vector<768x128xi1>
    %broadcast_in_dim3A_235 = vector.shape_cast %broadcast_in_dim3A_232 : vector<1x128xf32> to vector<1x128xf32>
    %broadcast_in_dim3A_236 = vector.broadcast %broadcast_in_dim3A_235 : vector<1x128xf32> to vector<768x128xf32>
    %select_n3A_237 = arith.select %broadcast_in_dim3A_234, %broadcast_in_dim3A_236, %select_n3A_224 : vector<768x128xi1>, vector<768x128xf32>
    %eq3A_238 = arith.constant 11 : i32
    %eq3A_239 = vector.broadcast %eq3A_238 : i32 to vector<768x1xi32>
    %eq3A_240 = arith.cmpi eq, %select_n3A, %eq3A_239 : vector<768x1xi32>
    %get3A_241 = arith.constant 11 : index
    %get3A_242 = arith.constant 0 : index
    %get3A_243 = vector.load %arg4[%get3A_241, %get3A_242] : memref<24x128xf32, #tpu.memory_space<vmem>>, vector<1x128xf32>
    %get3A_244 = vector.shape_cast %get3A_243 : vector<1x128xf32> to vector<128xf32>
    %broadcast_in_dim3A_245 = vector.shape_cast %get3A_244 : vector<128xf32> to vector<1x128xf32>
    %broadcast_in_dim3A_246 = vector.shape_cast %eq3A_240 : vector<768x1xi1> to vector<768x1xi1>
    %broadcast_in_dim3A_247 = vector.broadcast %broadcast_in_dim3A_246 : vector<768x1xi1> to vector<768x128xi1>
    %broadcast_in_dim3A_248 = vector.shape_cast %broadcast_in_dim3A_245 : vector<1x128xf32> to vector<1x128xf32>
    %broadcast_in_dim3A_249 = vector.broadcast %broadcast_in_dim3A_248 : vector<1x128xf32> to vector<768x128xf32>
    %select_n3A_250 = arith.select %broadcast_in_dim3A_247, %broadcast_in_dim3A_249, %select_n3A_237 : vector<768x128xi1>, vector<768x128xf32>
    %eq3A_251 = arith.constant 12 : i32
    %eq3A_252 = vector.broadcast %eq3A_251 : i32 to vector<768x1xi32>
    %eq3A_253 = arith.cmpi eq, %select_n3A, %eq3A_252 : vector<768x1xi32>
    %get3A_254 = arith.constant 12 : index
    %get3A_255 = arith.constant 0 : index
    %get3A_256 = vector.load %arg4[%get3A_254, %get3A_255] : memref<24x128xf32, #tpu.memory_space<vmem>>, vector<1x128xf32>
    %get3A_257 = vector.shape_cast %get3A_256 : vector<1x128xf32> to vector<128xf32>
    %broadcast_in_dim3A_258 = vector.shape_cast %get3A_257 : vector<128xf32> to vector<1x128xf32>
    %broadcast_in_dim3A_259 = vector.shape_cast %eq3A_253 : vector<768x1xi1> to vector<768x1xi1>
    %broadcast_in_dim3A_260 = vector.broadcast %broadcast_in_dim3A_259 : vector<768x1xi1> to vector<768x128xi1>
    %broadcast_in_dim3A_261 = vector.shape_cast %broadcast_in_dim3A_258 : vector<1x128xf32> to vector<1x128xf32>
    %broadcast_in_dim3A_262 = vector.broadcast %broadcast_in_dim3A_261 : vector<1x128xf32> to vector<768x128xf32>
    %select_n3A_263 = arith.select %broadcast_in_dim3A_260, %broadcast_in_dim3A_262, %select_n3A_250 : vector<768x128xi1>, vector<768x128xf32>
    %eq3A_264 = arith.constant 13 : i32
    %eq3A_265 = vector.broadcast %eq3A_264 : i32 to vector<768x1xi32>
    %eq3A_266 = arith.cmpi eq, %select_n3A, %eq3A_265 : vector<768x1xi32>
    %get3A_267 = arith.constant 13 : index
    %get3A_268 = arith.constant 0 : index
    %get3A_269 = vector.load %arg4[%get3A_267, %get3A_268] : memref<24x128xf32, #tpu.memory_space<vmem>>, vector<1x128xf32>
    %get3A_270 = vector.shape_cast %get3A_269 : vector<1x128xf32> to vector<128xf32>
    %broadcast_in_dim3A_271 = vector.shape_cast %get3A_270 : vector<128xf32> to vector<1x128xf32>
    %broadcast_in_dim3A_272 = vector.shape_cast %eq3A_266 : vector<768x1xi1> to vector<768x1xi1>
    %broadcast_in_dim3A_273 = vector.broadcast %broadcast_in_dim3A_272 : vector<768x1xi1> to vector<768x128xi1>
    %broadcast_in_dim3A_274 = vector.shape_cast %broadcast_in_dim3A_271 : vector<1x128xf32> to vector<1x128xf32>
    %broadcast_in_dim3A_275 = vector.broadcast %broadcast_in_dim3A_274 : vector<1x128xf32> to vector<768x128xf32>
    %select_n3A_276 = arith.select %broadcast_in_dim3A_273, %broadcast_in_dim3A_275, %select_n3A_263 : vector<768x128xi1>, vector<768x128xf32>
    %eq3A_277 = arith.constant 14 : i32
    %eq3A_278 = vector.broadcast %eq3A_277 : i32 to vector<768x1xi32>
    %eq3A_279 = arith.cmpi eq, %select_n3A, %eq3A_278 : vector<768x1xi32>
    %get3A_280 = arith.constant 14 : index
    %get3A_281 = arith.constant 0 : index
    %get3A_282 = vector.load %arg4[%get3A_280, %get3A_281] : memref<24x128xf32, #tpu.memory_space<vmem>>, vector<1x128xf32>
    %get3A_283 = vector.shape_cast %get3A_282 : vector<1x128xf32> to vector<128xf32>
    %broadcast_in_dim3A_284 = vector.shape_cast %get3A_283 : vector<128xf32> to vector<1x128xf32>
    %broadcast_in_dim3A_285 = vector.shape_cast %eq3A_279 : vector<768x1xi1> to vector<768x1xi1>
    %broadcast_in_dim3A_286 = vector.broadcast %broadcast_in_dim3A_285 : vector<768x1xi1> to vector<768x128xi1>
    %broadcast_in_dim3A_287 = vector.shape_cast %broadcast_in_dim3A_284 : vector<1x128xf32> to vector<1x128xf32>
    %broadcast_in_dim3A_288 = vector.broadcast %broadcast_in_dim3A_287 : vector<1x128xf32> to vector<768x128xf32>
    %select_n3A_289 = arith.select %broadcast_in_dim3A_286, %broadcast_in_dim3A_288, %select_n3A_276 : vector<768x128xi1>, vector<768x128xf32>
    %eq3A_290 = arith.constant 15 : i32
    %eq3A_291 = vector.broadcast %eq3A_290 : i32 to vector<768x1xi32>
    %eq3A_292 = arith.cmpi eq, %select_n3A, %eq3A_291 : vector<768x1xi32>
    %get3A_293 = arith.constant 15 : index
    %get3A_294 = arith.constant 0 : index
    %get3A_295 = vector.load %arg4[%get3A_293, %get3A_294] : memref<24x128xf32, #tpu.memory_space<vmem>>, vector<1x128xf32>
    %get3A_296 = vector.shape_cast %get3A_295 : vector<1x128xf32> to vector<128xf32>
    %broadcast_in_dim3A_297 = vector.shape_cast %get3A_296 : vector<128xf32> to vector<1x128xf32>
    %broadcast_in_dim3A_298 = vector.shape_cast %eq3A_292 : vector<768x1xi1> to vector<768x1xi1>
    %broadcast_in_dim3A_299 = vector.broadcast %broadcast_in_dim3A_298 : vector<768x1xi1> to vector<768x128xi1>
    %broadcast_in_dim3A_300 = vector.shape_cast %broadcast_in_dim3A_297 : vector<1x128xf32> to vector<1x128xf32>
    %broadcast_in_dim3A_301 = vector.broadcast %broadcast_in_dim3A_300 : vector<1x128xf32> to vector<768x128xf32>
    %select_n3A_302 = arith.select %broadcast_in_dim3A_299, %broadcast_in_dim3A_301, %select_n3A_289 : vector<768x128xi1>, vector<768x128xf32>
    %eq3A_303 = arith.constant 16 : i32
    %eq3A_304 = vector.broadcast %eq3A_303 : i32 to vector<768x1xi32>
    %eq3A_305 = arith.cmpi eq, %select_n3A, %eq3A_304 : vector<768x1xi32>
    %get3A_306 = arith.constant 16 : index
    %get3A_307 = arith.constant 0 : index
    %get3A_308 = vector.load %arg4[%get3A_306, %get3A_307] : memref<24x128xf32, #tpu.memory_space<vmem>>, vector<1x128xf32>
    %get3A_309 = vector.shape_cast %get3A_308 : vector<1x128xf32> to vector<128xf32>
    %broadcast_in_dim3A_310 = vector.shape_cast %get3A_309 : vector<128xf32> to vector<1x128xf32>
    %broadcast_in_dim3A_311 = vector.shape_cast %eq3A_305 : vector<768x1xi1> to vector<768x1xi1>
    %broadcast_in_dim3A_312 = vector.broadcast %broadcast_in_dim3A_311 : vector<768x1xi1> to vector<768x128xi1>
    %broadcast_in_dim3A_313 = vector.shape_cast %broadcast_in_dim3A_310 : vector<1x128xf32> to vector<1x128xf32>
    %broadcast_in_dim3A_314 = vector.broadcast %broadcast_in_dim3A_313 : vector<1x128xf32> to vector<768x128xf32>
    %select_n3A_315 = arith.select %broadcast_in_dim3A_312, %broadcast_in_dim3A_314, %select_n3A_302 : vector<768x128xi1>, vector<768x128xf32>
    %eq3A_316 = arith.constant 17 : i32
    %eq3A_317 = vector.broadcast %eq3A_316 : i32 to vector<768x1xi32>
    %eq3A_318 = arith.cmpi eq, %select_n3A, %eq3A_317 : vector<768x1xi32>
    %get3A_319 = arith.constant 17 : index
    %get3A_320 = arith.constant 0 : index
    %get3A_321 = vector.load %arg4[%get3A_319, %get3A_320] : memref<24x128xf32, #tpu.memory_space<vmem>>, vector<1x128xf32>
    %get3A_322 = vector.shape_cast %get3A_321 : vector<1x128xf32> to vector<128xf32>
    %broadcast_in_dim3A_323 = vector.shape_cast %get3A_322 : vector<128xf32> to vector<1x128xf32>
    %broadcast_in_dim3A_324 = vector.shape_cast %eq3A_318 : vector<768x1xi1> to vector<768x1xi1>
    %broadcast_in_dim3A_325 = vector.broadcast %broadcast_in_dim3A_324 : vector<768x1xi1> to vector<768x128xi1>
    %broadcast_in_dim3A_326 = vector.shape_cast %broadcast_in_dim3A_323 : vector<1x128xf32> to vector<1x128xf32>
    %broadcast_in_dim3A_327 = vector.broadcast %broadcast_in_dim3A_326 : vector<1x128xf32> to vector<768x128xf32>
    %select_n3A_328 = arith.select %broadcast_in_dim3A_325, %broadcast_in_dim3A_327, %select_n3A_315 : vector<768x128xi1>, vector<768x128xf32>
    %eq3A_329 = arith.constant 18 : i32
    %eq3A_330 = vector.broadcast %eq3A_329 : i32 to vector<768x1xi32>
    %eq3A_331 = arith.cmpi eq, %select_n3A, %eq3A_330 : vector<768x1xi32>
    %get3A_332 = arith.constant 18 : index
    %get3A_333 = arith.constant 0 : index
    %get3A_334 = vector.load %arg4[%get3A_332, %get3A_333] : memref<24x128xf32, #tpu.memory_space<vmem>>, vector<1x128xf32>
    %get3A_335 = vector.shape_cast %get3A_334 : vector<1x128xf32> to vector<128xf32>
    %broadcast_in_dim3A_336 = vector.shape_cast %get3A_335 : vector<128xf32> to vector<1x128xf32>
    %broadcast_in_dim3A_337 = vector.shape_cast %eq3A_331 : vector<768x1xi1> to vector<768x1xi1>
    %broadcast_in_dim3A_338 = vector.broadcast %broadcast_in_dim3A_337 : vector<768x1xi1> to vector<768x128xi1>
    %broadcast_in_dim3A_339 = vector.shape_cast %broadcast_in_dim3A_336 : vector<1x128xf32> to vector<1x128xf32>
    %broadcast_in_dim3A_340 = vector.broadcast %broadcast_in_dim3A_339 : vector<1x128xf32> to vector<768x128xf32>
    %select_n3A_341 = arith.select %broadcast_in_dim3A_338, %broadcast_in_dim3A_340, %select_n3A_328 : vector<768x128xi1>, vector<768x128xf32>
    %eq3A_342 = arith.constant 19 : i32
    %eq3A_343 = vector.broadcast %eq3A_342 : i32 to vector<768x1xi32>
    %eq3A_344 = arith.cmpi eq, %select_n3A, %eq3A_343 : vector<768x1xi32>
    %get3A_345 = arith.constant 19 : index
    %get3A_346 = arith.constant 0 : index
    %get3A_347 = vector.load %arg4[%get3A_345, %get3A_346] : memref<24x128xf32, #tpu.memory_space<vmem>>, vector<1x128xf32>
    %get3A_348 = vector.shape_cast %get3A_347 : vector<1x128xf32> to vector<128xf32>
    %broadcast_in_dim3A_349 = vector.shape_cast %get3A_348 : vector<128xf32> to vector<1x128xf32>
    %broadcast_in_dim3A_350 = vector.shape_cast %eq3A_344 : vector<768x1xi1> to vector<768x1xi1>
    %broadcast_in_dim3A_351 = vector.broadcast %broadcast_in_dim3A_350 : vector<768x1xi1> to vector<768x128xi1>
    %broadcast_in_dim3A_352 = vector.shape_cast %broadcast_in_dim3A_349 : vector<1x128xf32> to vector<1x128xf32>
    %broadcast_in_dim3A_353 = vector.broadcast %broadcast_in_dim3A_352 : vector<1x128xf32> to vector<768x128xf32>
    %select_n3A_354 = arith.select %broadcast_in_dim3A_351, %broadcast_in_dim3A_353, %select_n3A_341 : vector<768x128xi1>, vector<768x128xf32>
    %eq3A_355 = arith.constant 20 : i32
    %eq3A_356 = vector.broadcast %eq3A_355 : i32 to vector<768x1xi32>
    %eq3A_357 = arith.cmpi eq, %select_n3A, %eq3A_356 : vector<768x1xi32>
    %get3A_358 = arith.constant 20 : index
    %get3A_359 = arith.constant 0 : index
    %get3A_360 = vector.load %arg4[%get3A_358, %get3A_359] : memref<24x128xf32, #tpu.memory_space<vmem>>, vector<1x128xf32>
    %get3A_361 = vector.shape_cast %get3A_360 : vector<1x128xf32> to vector<128xf32>
    %broadcast_in_dim3A_362 = vector.shape_cast %get3A_361 : vector<128xf32> to vector<1x128xf32>
    %broadcast_in_dim3A_363 = vector.shape_cast %eq3A_357 : vector<768x1xi1> to vector<768x1xi1>
    %broadcast_in_dim3A_364 = vector.broadcast %broadcast_in_dim3A_363 : vector<768x1xi1> to vector<768x128xi1>
    %broadcast_in_dim3A_365 = vector.shape_cast %broadcast_in_dim3A_362 : vector<1x128xf32> to vector<1x128xf32>
    %broadcast_in_dim3A_366 = vector.broadcast %broadcast_in_dim3A_365 : vector<1x128xf32> to vector<768x128xf32>
    %select_n3A_367 = arith.select %broadcast_in_dim3A_364, %broadcast_in_dim3A_366, %select_n3A_354 : vector<768x128xi1>, vector<768x128xf32>
    %eq3A_368 = arith.constant 21 : i32
    %eq3A_369 = vector.broadcast %eq3A_368 : i32 to vector<768x1xi32>
    %eq3A_370 = arith.cmpi eq, %select_n3A, %eq3A_369 : vector<768x1xi32>
    %get3A_371 = arith.constant 21 : index
    %get3A_372 = arith.constant 0 : index
    %get3A_373 = vector.load %arg4[%get3A_371, %get3A_372] : memref<24x128xf32, #tpu.memory_space<vmem>>, vector<1x128xf32>
    %get3A_374 = vector.shape_cast %get3A_373 : vector<1x128xf32> to vector<128xf32>
    %broadcast_in_dim3A_375 = vector.shape_cast %get3A_374 : vector<128xf32> to vector<1x128xf32>
    %broadcast_in_dim3A_376 = vector.shape_cast %eq3A_370 : vector<768x1xi1> to vector<768x1xi1>
    %broadcast_in_dim3A_377 = vector.broadcast %broadcast_in_dim3A_376 : vector<768x1xi1> to vector<768x128xi1>
    %broadcast_in_dim3A_378 = vector.shape_cast %broadcast_in_dim3A_375 : vector<1x128xf32> to vector<1x128xf32>
    %broadcast_in_dim3A_379 = vector.broadcast %broadcast_in_dim3A_378 : vector<1x128xf32> to vector<768x128xf32>
    %select_n3A_380 = arith.select %broadcast_in_dim3A_377, %broadcast_in_dim3A_379, %select_n3A_367 : vector<768x128xi1>, vector<768x128xf32>
    %eq3A_381 = arith.constant 22 : i32
    %eq3A_382 = vector.broadcast %eq3A_381 : i32 to vector<768x1xi32>
    %eq3A_383 = arith.cmpi eq, %select_n3A, %eq3A_382 : vector<768x1xi32>
    %get3A_384 = arith.constant 22 : index
    %get3A_385 = arith.constant 0 : index
    %get3A_386 = vector.load %arg4[%get3A_384, %get3A_385] : memref<24x128xf32, #tpu.memory_space<vmem>>, vector<1x128xf32>
    %get3A_387 = vector.shape_cast %get3A_386 : vector<1x128xf32> to vector<128xf32>
    %broadcast_in_dim3A_388 = vector.shape_cast %get3A_387 : vector<128xf32> to vector<1x128xf32>
    %broadcast_in_dim3A_389 = vector.shape_cast %eq3A_383 : vector<768x1xi1> to vector<768x1xi1>
    %broadcast_in_dim3A_390 = vector.broadcast %broadcast_in_dim3A_389 : vector<768x1xi1> to vector<768x128xi1>
    %broadcast_in_dim3A_391 = vector.shape_cast %broadcast_in_dim3A_388 : vector<1x128xf32> to vector<1x128xf32>
    %broadcast_in_dim3A_392 = vector.broadcast %broadcast_in_dim3A_391 : vector<1x128xf32> to vector<768x128xf32>
    %select_n3A_393 = arith.select %broadcast_in_dim3A_390, %broadcast_in_dim3A_392, %select_n3A_380 : vector<768x128xi1>, vector<768x128xf32>
    %eq3A_394 = arith.constant 23 : i32
    %eq3A_395 = vector.broadcast %eq3A_394 : i32 to vector<768x1xi32>
    %eq3A_396 = arith.cmpi eq, %select_n3A, %eq3A_395 : vector<768x1xi32>
    %get3A_397 = arith.constant 23 : index
    %get3A_398 = arith.constant 0 : index
    %get3A_399 = vector.load %arg4[%get3A_397, %get3A_398] : memref<24x128xf32, #tpu.memory_space<vmem>>, vector<1x128xf32>
    %get3A_400 = vector.shape_cast %get3A_399 : vector<1x128xf32> to vector<128xf32>
    %broadcast_in_dim3A_401 = vector.shape_cast %get3A_400 : vector<128xf32> to vector<1x128xf32>
    %broadcast_in_dim3A_402 = vector.shape_cast %eq3A_396 : vector<768x1xi1> to vector<768x1xi1>
    %broadcast_in_dim3A_403 = vector.broadcast %broadcast_in_dim3A_402 : vector<768x1xi1> to vector<768x128xi1>
    %broadcast_in_dim3A_404 = vector.shape_cast %broadcast_in_dim3A_401 : vector<1x128xf32> to vector<1x128xf32>
    %broadcast_in_dim3A_405 = vector.broadcast %broadcast_in_dim3A_404 : vector<1x128xf32> to vector<768x128xf32>
    %select_n3A_406 = arith.select %broadcast_in_dim3A_403, %broadcast_in_dim3A_405, %select_n3A_393 : vector<768x128xi1>, vector<768x128xf32>
    %broadcast_in_dim3A_407 = arith.constant 0.000000e+00 : f32
    %broadcast_in_dim3A_408 = vector.broadcast %broadcast_in_dim3A_407 : f32 to vector<768x128xf32>
    %eq3A_409 = arith.constant 0 : i32
    %eq3A_410 = vector.broadcast %eq3A_409 : i32 to vector<768x1xi32>
    %eq3A_411 = arith.cmpi eq, %select_n3A_72, %eq3A_410 : vector<768x1xi32>
    %get3A_412 = arith.constant 0 : index
    %get3A_413 = arith.constant 0 : index
    %get3A_414 = vector.load %arg3[%get3A_412, %get3A_413] : memref<4x128xf32, #tpu.memory_space<vmem>>, vector<1x128xf32>
    %get3A_415 = vector.shape_cast %get3A_414 : vector<1x128xf32> to vector<128xf32>
    %broadcast_in_dim3A_416 = vector.shape_cast %get3A_415 : vector<128xf32> to vector<1x128xf32>
    %broadcast_in_dim3A_417 = vector.shape_cast %eq3A_411 : vector<768x1xi1> to vector<768x1xi1>
    %broadcast_in_dim3A_418 = vector.broadcast %broadcast_in_dim3A_417 : vector<768x1xi1> to vector<768x128xi1>
    %broadcast_in_dim3A_419 = vector.shape_cast %broadcast_in_dim3A_416 : vector<1x128xf32> to vector<1x128xf32>
    %broadcast_in_dim3A_420 = vector.broadcast %broadcast_in_dim3A_419 : vector<1x128xf32> to vector<768x128xf32>
    %select_n3A_421 = arith.select %broadcast_in_dim3A_418, %broadcast_in_dim3A_420, %broadcast_in_dim3A_408 : vector<768x128xi1>, vector<768x128xf32>
    %eq3A_422 = arith.constant 1 : i32
    %eq3A_423 = vector.broadcast %eq3A_422 : i32 to vector<768x1xi32>
    %eq3A_424 = arith.cmpi eq, %select_n3A_72, %eq3A_423 : vector<768x1xi32>
    %get3A_425 = arith.constant 1 : index
    %get3A_426 = arith.constant 0 : index
    %get3A_427 = vector.load %arg3[%get3A_425, %get3A_426] : memref<4x128xf32, #tpu.memory_space<vmem>>, vector<1x128xf32>
    %get3A_428 = vector.shape_cast %get3A_427 : vector<1x128xf32> to vector<128xf32>
    %broadcast_in_dim3A_429 = vector.shape_cast %get3A_428 : vector<128xf32> to vector<1x128xf32>
    %broadcast_in_dim3A_430 = vector.shape_cast %eq3A_424 : vector<768x1xi1> to vector<768x1xi1>
    %broadcast_in_dim3A_431 = vector.broadcast %broadcast_in_dim3A_430 : vector<768x1xi1> to vector<768x128xi1>
    %broadcast_in_dim3A_432 = vector.shape_cast %broadcast_in_dim3A_429 : vector<1x128xf32> to vector<1x128xf32>
    %broadcast_in_dim3A_433 = vector.broadcast %broadcast_in_dim3A_432 : vector<1x128xf32> to vector<768x128xf32>
    %select_n3A_434 = arith.select %broadcast_in_dim3A_431, %broadcast_in_dim3A_433, %select_n3A_421 : vector<768x128xi1>, vector<768x128xf32>
    %eq3A_435 = arith.constant 2 : i32
    %eq3A_436 = vector.broadcast %eq3A_435 : i32 to vector<768x1xi32>
    %eq3A_437 = arith.cmpi eq, %select_n3A_72, %eq3A_436 : vector<768x1xi32>
    %get3A_438 = arith.constant 2 : index
    %get3A_439 = arith.constant 0 : index
    %get3A_440 = vector.load %arg3[%get3A_438, %get3A_439] : memref<4x128xf32, #tpu.memory_space<vmem>>, vector<1x128xf32>
    %get3A_441 = vector.shape_cast %get3A_440 : vector<1x128xf32> to vector<128xf32>
    %broadcast_in_dim3A_442 = vector.shape_cast %get3A_441 : vector<128xf32> to vector<1x128xf32>
    %broadcast_in_dim3A_443 = vector.shape_cast %eq3A_437 : vector<768x1xi1> to vector<768x1xi1>
    %broadcast_in_dim3A_444 = vector.broadcast %broadcast_in_dim3A_443 : vector<768x1xi1> to vector<768x128xi1>
    %broadcast_in_dim3A_445 = vector.shape_cast %broadcast_in_dim3A_442 : vector<1x128xf32> to vector<1x128xf32>
    %broadcast_in_dim3A_446 = vector.broadcast %broadcast_in_dim3A_445 : vector<1x128xf32> to vector<768x128xf32>
    %select_n3A_447 = arith.select %broadcast_in_dim3A_444, %broadcast_in_dim3A_446, %select_n3A_434 : vector<768x128xi1>, vector<768x128xf32>
    %eq3A_448 = arith.constant 3 : i32
    %eq3A_449 = vector.broadcast %eq3A_448 : i32 to vector<768x1xi32>
    %eq3A_450 = arith.cmpi eq, %select_n3A_72, %eq3A_449 : vector<768x1xi32>
    %get3A_451 = arith.constant 3 : index
    %get3A_452 = arith.constant 0 : index
    %get3A_453 = vector.load %arg3[%get3A_451, %get3A_452] : memref<4x128xf32, #tpu.memory_space<vmem>>, vector<1x128xf32>
    %get3A_454 = vector.shape_cast %get3A_453 : vector<1x128xf32> to vector<128xf32>
    %broadcast_in_dim3A_455 = vector.shape_cast %get3A_454 : vector<128xf32> to vector<1x128xf32>
    %broadcast_in_dim3A_456 = vector.shape_cast %eq3A_450 : vector<768x1xi1> to vector<768x1xi1>
    %broadcast_in_dim3A_457 = vector.broadcast %broadcast_in_dim3A_456 : vector<768x1xi1> to vector<768x128xi1>
    %broadcast_in_dim3A_458 = vector.shape_cast %broadcast_in_dim3A_455 : vector<1x128xf32> to vector<1x128xf32>
    %broadcast_in_dim3A_459 = vector.broadcast %broadcast_in_dim3A_458 : vector<1x128xf32> to vector<768x128xf32>
    %select_n3A_460 = arith.select %broadcast_in_dim3A_457, %broadcast_in_dim3A_459, %select_n3A_447 : vector<768x128xi1>, vector<768x128xf32>
    %broadcast_in_dim3A_461 = arith.constant 0.000000e+00 : f32
    %broadcast_in_dim3A_462 = vector.broadcast %broadcast_in_dim3A_461 : f32 to vector<768x128xf32>
    %eq3A_463 = arith.constant 0 : i32
    %eq3A_464 = vector.broadcast %eq3A_463 : i32 to vector<768x1xi32>
    %eq3A_465 = arith.cmpi eq, %select_n3A_94, %eq3A_464 : vector<768x1xi32>
    %get3A_466 = arith.constant 0 : index
    %get3A_467 = arith.constant 0 : index
    %get3A_468 = vector.load %arg5[%get3A_466, %get3A_467] : memref<7x128xf32, #tpu.memory_space<vmem>>, vector<1x128xf32>
    %get3A_469 = vector.shape_cast %get3A_468 : vector<1x128xf32> to vector<128xf32>
    %broadcast_in_dim3A_470 = vector.shape_cast %get3A_469 : vector<128xf32> to vector<1x128xf32>
    %broadcast_in_dim3A_471 = vector.shape_cast %eq3A_465 : vector<768x1xi1> to vector<768x1xi1>
    %broadcast_in_dim3A_472 = vector.broadcast %broadcast_in_dim3A_471 : vector<768x1xi1> to vector<768x128xi1>
    %broadcast_in_dim3A_473 = vector.shape_cast %broadcast_in_dim3A_470 : vector<1x128xf32> to vector<1x128xf32>
    %broadcast_in_dim3A_474 = vector.broadcast %broadcast_in_dim3A_473 : vector<1x128xf32> to vector<768x128xf32>
    %select_n3A_475 = arith.select %broadcast_in_dim3A_472, %broadcast_in_dim3A_474, %broadcast_in_dim3A_462 : vector<768x128xi1>, vector<768x128xf32>
    %eq3A_476 = arith.constant 1 : i32
    %eq3A_477 = vector.broadcast %eq3A_476 : i32 to vector<768x1xi32>
    %eq3A_478 = arith.cmpi eq, %select_n3A_94, %eq3A_477 : vector<768x1xi32>
    %get3A_479 = arith.constant 1 : index
    %get3A_480 = arith.constant 0 : index
    %get3A_481 = vector.load %arg5[%get3A_479, %get3A_480] : memref<7x128xf32, #tpu.memory_space<vmem>>, vector<1x128xf32>
    %get3A_482 = vector.shape_cast %get3A_481 : vector<1x128xf32> to vector<128xf32>
    %broadcast_in_dim3A_483 = vector.shape_cast %get3A_482 : vector<128xf32> to vector<1x128xf32>
    %broadcast_in_dim3A_484 = vector.shape_cast %eq3A_478 : vector<768x1xi1> to vector<768x1xi1>
    %broadcast_in_dim3A_485 = vector.broadcast %broadcast_in_dim3A_484 : vector<768x1xi1> to vector<768x128xi1>
    %broadcast_in_dim3A_486 = vector.shape_cast %broadcast_in_dim3A_483 : vector<1x128xf32> to vector<1x128xf32>
    %broadcast_in_dim3A_487 = vector.broadcast %broadcast_in_dim3A_486 : vector<1x128xf32> to vector<768x128xf32>
    %select_n3A_488 = arith.select %broadcast_in_dim3A_485, %broadcast_in_dim3A_487, %select_n3A_475 : vector<768x128xi1>, vector<768x128xf32>
    %eq3A_489 = arith.constant 2 : i32
    %eq3A_490 = vector.broadcast %eq3A_489 : i32 to vector<768x1xi32>
    %eq3A_491 = arith.cmpi eq, %select_n3A_94, %eq3A_490 : vector<768x1xi32>
    %get3A_492 = arith.constant 2 : index
    %get3A_493 = arith.constant 0 : index
    %get3A_494 = vector.load %arg5[%get3A_492, %get3A_493] : memref<7x128xf32, #tpu.memory_space<vmem>>, vector<1x128xf32>
    %get3A_495 = vector.shape_cast %get3A_494 : vector<1x128xf32> to vector<128xf32>
    %broadcast_in_dim3A_496 = vector.shape_cast %get3A_495 : vector<128xf32> to vector<1x128xf32>
    %broadcast_in_dim3A_497 = vector.shape_cast %eq3A_491 : vector<768x1xi1> to vector<768x1xi1>
    %broadcast_in_dim3A_498 = vector.broadcast %broadcast_in_dim3A_497 : vector<768x1xi1> to vector<768x128xi1>
    %broadcast_in_dim3A_499 = vector.shape_cast %broadcast_in_dim3A_496 : vector<1x128xf32> to vector<1x128xf32>
    %broadcast_in_dim3A_500 = vector.broadcast %broadcast_in_dim3A_499 : vector<1x128xf32> to vector<768x128xf32>
    %select_n3A_501 = arith.select %broadcast_in_dim3A_498, %broadcast_in_dim3A_500, %select_n3A_488 : vector<768x128xi1>, vector<768x128xf32>
    %eq3A_502 = arith.constant 3 : i32
    %eq3A_503 = vector.broadcast %eq3A_502 : i32 to vector<768x1xi32>
    %eq3A_504 = arith.cmpi eq, %select_n3A_94, %eq3A_503 : vector<768x1xi32>
    %get3A_505 = arith.constant 3 : index
    %get3A_506 = arith.constant 0 : index
    %get3A_507 = vector.load %arg5[%get3A_505, %get3A_506] : memref<7x128xf32, #tpu.memory_space<vmem>>, vector<1x128xf32>
    %get3A_508 = vector.shape_cast %get3A_507 : vector<1x128xf32> to vector<128xf32>
    %broadcast_in_dim3A_509 = vector.shape_cast %get3A_508 : vector<128xf32> to vector<1x128xf32>
    %broadcast_in_dim3A_510 = vector.shape_cast %eq3A_504 : vector<768x1xi1> to vector<768x1xi1>
    %broadcast_in_dim3A_511 = vector.broadcast %broadcast_in_dim3A_510 : vector<768x1xi1> to vector<768x128xi1>
    %broadcast_in_dim3A_512 = vector.shape_cast %broadcast_in_dim3A_509 : vector<1x128xf32> to vector<1x128xf32>
    %broadcast_in_dim3A_513 = vector.broadcast %broadcast_in_dim3A_512 : vector<1x128xf32> to vector<768x128xf32>
    %select_n3A_514 = arith.select %broadcast_in_dim3A_511, %broadcast_in_dim3A_513, %select_n3A_501 : vector<768x128xi1>, vector<768x128xf32>
    %eq3A_515 = arith.constant 4 : i32
    %eq3A_516 = vector.broadcast %eq3A_515 : i32 to vector<768x1xi32>
    %eq3A_517 = arith.cmpi eq, %select_n3A_94, %eq3A_516 : vector<768x1xi32>
    %get3A_518 = arith.constant 4 : index
    %get3A_519 = arith.constant 0 : index
    %get3A_520 = vector.load %arg5[%get3A_518, %get3A_519] : memref<7x128xf32, #tpu.memory_space<vmem>>, vector<1x128xf32>
    %get3A_521 = vector.shape_cast %get3A_520 : vector<1x128xf32> to vector<128xf32>
    %broadcast_in_dim3A_522 = vector.shape_cast %get3A_521 : vector<128xf32> to vector<1x128xf32>
    %broadcast_in_dim3A_523 = vector.shape_cast %eq3A_517 : vector<768x1xi1> to vector<768x1xi1>
    %broadcast_in_dim3A_524 = vector.broadcast %broadcast_in_dim3A_523 : vector<768x1xi1> to vector<768x128xi1>
    %broadcast_in_dim3A_525 = vector.shape_cast %broadcast_in_dim3A_522 : vector<1x128xf32> to vector<1x128xf32>
    %broadcast_in_dim3A_526 = vector.broadcast %broadcast_in_dim3A_525 : vector<1x128xf32> to vector<768x128xf32>
    %select_n3A_527 = arith.select %broadcast_in_dim3A_524, %broadcast_in_dim3A_526, %select_n3A_514 : vector<768x128xi1>, vector<768x128xf32>
    %eq3A_528 = arith.constant 5 : i32
    %eq3A_529 = vector.broadcast %eq3A_528 : i32 to vector<768x1xi32>
    %eq3A_530 = arith.cmpi eq, %select_n3A_94, %eq3A_529 : vector<768x1xi32>
    %get3A_531 = arith.constant 5 : index
    %get3A_532 = arith.constant 0 : index
    %get3A_533 = vector.load %arg5[%get3A_531, %get3A_532] : memref<7x128xf32, #tpu.memory_space<vmem>>, vector<1x128xf32>
    %get3A_534 = vector.shape_cast %get3A_533 : vector<1x128xf32> to vector<128xf32>
    %broadcast_in_dim3A_535 = vector.shape_cast %get3A_534 : vector<128xf32> to vector<1x128xf32>
    %broadcast_in_dim3A_536 = vector.shape_cast %eq3A_530 : vector<768x1xi1> to vector<768x1xi1>
    %broadcast_in_dim3A_537 = vector.broadcast %broadcast_in_dim3A_536 : vector<768x1xi1> to vector<768x128xi1>
    %broadcast_in_dim3A_538 = vector.shape_cast %broadcast_in_dim3A_535 : vector<1x128xf32> to vector<1x128xf32>
    %broadcast_in_dim3A_539 = vector.broadcast %broadcast_in_dim3A_538 : vector<1x128xf32> to vector<768x128xf32>
    %select_n3A_540 = arith.select %broadcast_in_dim3A_537, %broadcast_in_dim3A_539, %select_n3A_527 : vector<768x128xi1>, vector<768x128xf32>
    %eq3A_541 = arith.constant 6 : i32
    %eq3A_542 = vector.broadcast %eq3A_541 : i32 to vector<768x1xi32>
    %eq3A_543 = arith.cmpi eq, %select_n3A_94, %eq3A_542 : vector<768x1xi32>
    %get3A_544 = arith.constant 6 : index
    %get3A_545 = arith.constant 0 : index
    %get3A_546 = vector.load %arg5[%get3A_544, %get3A_545] : memref<7x128xf32, #tpu.memory_space<vmem>>, vector<1x128xf32>
    %get3A_547 = vector.shape_cast %get3A_546 : vector<1x128xf32> to vector<128xf32>
    %broadcast_in_dim3A_548 = vector.shape_cast %get3A_547 : vector<128xf32> to vector<1x128xf32>
    %broadcast_in_dim3A_549 = vector.shape_cast %eq3A_543 : vector<768x1xi1> to vector<768x1xi1>
    %broadcast_in_dim3A_550 = vector.broadcast %broadcast_in_dim3A_549 : vector<768x1xi1> to vector<768x128xi1>
    %broadcast_in_dim3A_551 = vector.shape_cast %broadcast_in_dim3A_548 : vector<1x128xf32> to vector<1x128xf32>
    %broadcast_in_dim3A_552 = vector.broadcast %broadcast_in_dim3A_551 : vector<1x128xf32> to vector<768x128xf32>
    %select_n3A_553 = arith.select %broadcast_in_dim3A_550, %broadcast_in_dim3A_552, %select_n3A_540 : vector<768x128xi1>, vector<768x128xf32>
    %add3A_554 = arith.addf %select_n3A_406, %select_n3A_460 : vector<768x128xf32>
    %add3A_555 = arith.addf %add3A_554, %select_n3A_553 : vector<768x128xf32>
    %swap3A = arith.constant 0 : index
    %swap3A_556 = arith.constant 0 : index
    %swap3A_557 = vector.load %arg6[%swap3A, %swap3A_556] : memref<768x128xf32, #tpu.memory_space<vmem>>, vector<768x128xf32>
    tpu.vector_store %arg6[%swap3A, %swap3A_556], %add3A_555 {strides = array<i32>} : memref<768x128xf32, #tpu.memory_space<vmem>>, vector<768x128xf32>,
    %get3A_558 = arith.constant 0 : index
    %get3A_559 = arith.constant 0 : index
    %get3A_560 = vector.load %arg1[%get3A_558, %get3A_559] : memref<4096x256xi32, #tpu.memory_space<vmem>>, vector<4096x256xi32>
    %mul3A = arith.constant 8 : i32
    %mul3A_561 = vector.broadcast %mul3A : i32 to vector<4096x256xi32>
    %mul3A_562 = arith.muli %get3A_560, %mul3A_561 : vector<4096x256xi32>
    %get3A_563 = arith.constant 0 : index
    %get3A_564 = arith.constant 0 : index
    %get3A_565 = vector.load %arg2[%get3A_563, %get3A_564] : memref<4096x256xi32, #tpu.memory_space<vmem>>, vector<4096x256xi32>
    %add3A_566 = arith.addi %mul3A_562, %get3A_565 : vector<4096x256xi32>
    %reshape3A = vector.shape_cast %add3A_566 : vector<4096x256xi32> to vector<1048576xi32>
    %swap3A_567 = arith.constant 0 : index
    %swap3A_568 = vector.load %arg7[%swap3A_567] : memref<1048576xi32, #tpu.memory_space<vmem>>, vector<1048576xi32>
    tpu.vector_store %arg7[%swap3A_567], %reshape3A {strides = array<i32>} : memref<1048576xi32, #tpu.memory_space<vmem>>, vector<1048576xi32>,
    return
  }
  func.func @transform_0(%arg0: i32) -> (i32, i32) {
    %c0_i32 = arith.constant 0 : i32
    %c0_i32_0 = arith.constant 0 : i32
    %c0_i32_1 = arith.constant 0 : i32
    return %c0_i32, %c0_i32_0 : i32, i32
  }
  func.func @transform_1(%arg0: i32) -> (i32, i32) {
    %c0_i32 = arith.constant 0 : i32
    %c0_i32_0 = arith.constant 0 : i32
    %c0_i32_1 = arith.constant 0 : i32
    return %c0_i32, %c0_i32_0 : i32, i32
  }
  func.func @transform_2(%arg0: i32) -> (i32, i32) {
    %c0_i32 = arith.constant 0 : i32
    %c0_i32_0 = arith.constant 0 : i32
    %c0_i32_1 = arith.constant 0 : i32
    return %c0_i32, %c0_i32_0 : i32, i32
  }
  func.func @transform_3(%arg0: i32) -> (i32, i32) {
    %c0_i32 = arith.constant 0 : i32
    %c0_i32_0 = arith.constant 0 : i32
    %c0_i32_1 = arith.constant 0 : i32
    return %c0_i32, %c0_i32_0 : i32, i32
  }
  func.func @transform_4(%arg0: i32) -> (i32, i32) {
    %c0_i32 = arith.constant 0 : i32
    %c0_i32_0 = arith.constant 0 : i32
    %c0_i32_1 = arith.constant 0 : i32
    return %c0_i32, %c0_i32_0 : i32, i32
  }
  func.func @transform_5(%arg0: i32) -> (i32, i32) {
    %c0_i32 = arith.constant 0 : i32
    %c0_i32_0 = arith.constant 0 : i32
    %c0_i32_1 = arith.constant 0 : i32
    return %c0_i32, %c0_i32_0 : i32, i32
  }
  func.func @transform_6(%arg0: i32) -> i32 {
    %c0_i32 = arith.constant 0 : i32
    %c0_i32_0 = arith.constant 0 : i32
    return %c0_i32 : i32
  }
}

</mosaic_0001>

<sc_bundles>
// kernel: kernel.4.cloned.1.call-start
scs
__scs_entry_jumppad:
0x0: {  	(pc) =	sbr.rel $0x88, $3  }
0x1: {  	(tag) =	ssettag $0x0;
	lr =	simm.s32 $0x1  }
0x2: {  	[smem:$0x3F9C] =	sst lr;
	_ =	strace $0xD0000000  }
0x3: {  	_ = 	snop  }
0x4: {  	_ = 	snop  }
0x5: {  	_ = 	snop  }
0x6: {  	_ = 	snop  }
0x7: {  	_ = 	snop  }
__scs_overlays_trampoline_lowered:
0x8: {  	[smem:$0x3FAB] =	sst s0  }
0x9: {  	[smem:$0x3FAC] =	sst s1  }
0xa: {  	[smem:$0x3FAD] =	sst s2  }
0xb: {  	[smem:$0x3FAE] =	sst s3  }
0xc: {  	[smem:$0x3FAF] =	sst s4  }
0xd: {  	[smem:$0x3FB0] =	sst s5  }
0xe: {  	[smem:$0x3FB1] =	sst s6  }
0xf: {  	[smem:$0x3FB2] =	sst s7  }
0x10: {  	[smem:$0x3FB3] =	sst s8  }
0x11: {  	[smem:$0x3FB4] =	sst s9;
	s0 =	simm.s32 @!p0 $0x0  }
0x12: {  	s1 =	sld [smem:$0x3F9A];
	s0 =	simm.s32 @p0 $0x1  }
0x13: {  	[smem:$0x3FB5] =	sst s0;
	s0 =	simm.s32 @!p1 $0x0  }
0x14: {  	s2 =	sld [smem:$0x3F99];
	s0 =	simm.s32 @p1 $0x1  }
0x15: {  	[smem:$0x3FB6] =	sst s0;
	s0 =	simm.s32 @!p2 $0x0  }
0x16: {  	s3 =	sld [smem:$0x3FDB];
	s0 =	simm.s32 @p2 $0x1  }
0x17: {  	s4 =	simm.s32 $0x1BF5;
	[smem:$0x3FB8] =	sst s0  }
0x18: {  	s0 =	sld [smem:$0x3F9B];
	_ =	swait.ge [sflag:s4], $0x0  }
0x19: {  	s7 =	sld [smem:$0x3F9C]  }
0x1a: {  	s8 =	sadd.s32 $0xFFFFE003, lr  }
0x1b: {  	s9 =	sadd.s32 $0xFFFFFEF7, lr;
	s5 =	simm.s32 $0xFFFFFFFF;
	p2 =	slt.u32 s8, $0xFFFFF086  }
0x1c: {  	p1 =	slt.u32 s9, $0xF7A;
	s5 =	simm.s32 @!p2 $0x0  }
0x1d: {  	s5 =	simm.s32 @p1 $0x1;
	p0 =	seq.s32 s7, s2  }
0x1e: {  	s7 =	smul.u32 @!p0 $0xF7A, s2;
	p2 =	seq.s32 @!p0 s5, $0x0  }
0x1f: {  	s9 =	smul.u32 $0xF7A, s1;
	s8 =	simm.s32 @!p0 $0x1BF5;
	p2 =	por !p2, p0  }
0x20: {  	[sflag:s8] =	ssyncset.s32 @!p0 $0xFFFFF086;
	s6 =	sadd.s32 @!p0 s3, s7;
	s7 =	simm.s32 @!p0 $0x108  }
0x21: {  	s3 =	sadd.s32 s3, s9;
	s6 =	sadd.s32 @!p0 $0x88, s6;
	s7 =	simm.s32 @p2 $0x1082  }
0x22: {  	[simem:s7], [sflag:s8] =	dma.local @!p0 [hbm:s6], $0xF7A  }
0x23: {  	s9 =	sor.u32 $0xD0000000, s2;
	s6 =	simm.s32 $0x108;
	_ =	swait.ge @!p0 [sflag:s8], $0x0  }
0x24: {  	s3 =	sadd.s32 $0x88, s3;
	s6 =	simm.s32 @!p1 $0x1082;
	[sflag:s4] =	ssyncset.s32 $0xFFFFF086  }
0x25: {  	[simem:s6], [sflag:s4] =	dma.local [hbm:s3], $0xF7A  }
0x26: {  	[smem:$0x3F9C] =	sst s1;
	(tag) =	ssettag s2;
	_ =	strace s9  }
0x27: {  	s1 =	sld [smem:$0x3FAC]  }
0x28: {  	s2 =	sld [smem:$0x3FAD]  }
0x29: {  	s4 =	sld [smem:$0x3FAF]  }
0x2a: {  	p0 =	seq.s32 s5, $0x0;
	s5 =	sld [smem:$0x3FB0]  }
0x2b: {  	s6 =	sld [smem:$0x3FB1]  }
0x2c: {  	s7 =	sld [smem:$0x3FB2]  }
0x2d: {  	s3 =	simm.s32 $0x108;
	s8 =	sld [smem:$0x3FB3]  }
0x2e: {  	s3 =	simm.s32 @!p0 $0x1082;
	s9 =	sld [smem:$0x3FB4]  }
0x2f: {  	lr =	sadd.s32 s0, s3;
	s0 =	sld [smem:$0x3FAB]  }
0x30: {  	s3 =	sld [smem:$0x3FAE]  }
0x31: {  	[smem:$0x3FB7] =	sst s10  }
0x32: {  	s10 =	sld [smem:$0x3FB5];
	_ =	sdelay $0x3  }
0x33: {  	p0 =	seq.s32 s10, $0x1;
	s10 =	sld [smem:$0x3FB7];
	_ =	sdelay $0x3  }
0x34: {  	[smem:$0x3FB7] =	sst s10  }
0x35: {  	s10 =	sld [smem:$0x3FB6];
	_ =	sdelay $0x3  }
0x36: {  	p1 =	seq.s32 s10, $0x1;
	s10 =	sld [smem:$0x3FB7];
	_ =	sdelay $0x3  }
0x37: {  	[smem:$0x3FB7] =	sst s10  }
0x38: {  	s10 =	sld [smem:$0x3FB8]  }
0x39: {  	_ = 	snop;
	(pc) =	sbr.ind lr, $3  }
0x3a: {  	_ = 	snop  }
0x3b: {  	_ = 	snop  }
0x3c: {  	p2 =	seq.s32 s10, $0x1;
	s10 =	sld [smem:$0x3FB7]  }
0x3d: {  	_ =	shalt  }
0x3e: {  	_ =	shalt  }
0x3f: {  	_ =	shalt  }
0x40: {  	_ =	shalt  }
0x41: {  	_ =	shalt  }
0x42: {  	_ =	shalt  }
0x43: {  	_ =	shalt  }
0x44: {  	_ =	shalt  }
0x45: {  	_ =	shalt  }
0x46: {  	_ =	shalt  }
0x47: {  	_ =	shalt  }
0x48: {  	_ =	shalt  }
0x49: {  	_ =	shalt  }
0x4a: {  	_ =	shalt  }
0x4b: {  	_ =	shalt  }
0x4c: {  	_ =	shalt  }
0x4d: {  	_ =	shalt  }
0x4e: {  	_ =	shalt  }
0x4f: {  	_ =	shalt  }
0x50: {  	_ =	shalt  }
0x51: {  	_ =	shalt  }
0x52: {  	_ =	shalt  }
0x53: {  	_ =	shalt  }
0x54: {  	_ =	shalt  }
0x55: {  	_ =	shalt  }
0x56: {  	_ =	shalt  }
0x57: {  	_ =	shalt  }
0x58: {  	_ =	shalt  }
0x59: {  	_ =	shalt  }
0x5a: {  	_ =	shalt  }
0x5b: {  	_ =	shalt  }
0x5c: {  	_ =	shalt  }
0x5d: {  	_ =	shalt  }
0x5e: {  	_ =	shalt  }
0x5f: {  	_ =	shalt  }
0x60: {  	_ =	shalt  }
0x61: {  	_ =	shalt  }
0x62: {  	_ =	shalt  }
0x63: {  	_ =	shalt  }
0x64: {  	_ =	shalt  }
0x65: {  	_ =	shalt  }
0x66: {  	_ =	shalt  }
0x67: {  	_ =	shalt  }
0x68: {  	_ =	shalt  }
0x69: {  	_ =	shalt  }
0x6a: {  	_ =	shalt  }
0x6b: {  	_ =	shalt  }
0x6c: {  	_ =	shalt  }
0x6d: {  	_ =	shalt  }
0x6e: {  	_ =	shalt  }
0x6f: {  	_ =	shalt  }
0x70: {  	_ =	shalt  }
0x71: {  	_ =	shalt  }
0x72: {  	_ =	shalt  }
0x73: {  	_ =	shalt  }
0x74: {  	_ =	shalt  }
0x75: {  	_ =	shalt  }
0x76: {  	_ =	shalt  }
0x77: {  	_ =	shalt  }
0x78: {  	_ =	shalt  }
0x79: {  	_ =	shalt  }
0x7a: {  	_ =	shalt  }
0x7b: {  	_ =	shalt  }
0x7c: {  	_ =	shalt  }
0x7d: {  	_ =	shalt  }
0x7e: {  	_ =	shalt  }
0x7f: {  	_ =	shalt  }
0x80: {  	_ =	shalt  }
0x81: {  	_ =	shalt  }
0x82: {  	_ =	shalt  }
0x83: {  	_ =	shalt  }
0x84: {  	_ =	shalt  }
0x85: {  	_ =	shalt  }
0x86: {  	_ =	shalt  }
0x87: {  	_ =	shalt  }
.Lfunc_end0:
.L_simem_size_0:
called_computation_lowered:
.L_overlay_start_0:
0x88: {  	s2 =	sld [smem:$0x3FD9]  }
0x89: {  	s3 =	sld [smem:$0x3FFE];
	_ =	sdelay $0x1  }
0x8a: {  	s1 =	srdreg.scid  }
0x8b: {  	s0 =	sand.u32 $0x1, s1  }
0x8c: {  	s17 =	sshll.u32 s0, $0xA;
	s2 =	sadd.s32 s3, s2  }
0x8d: {  	s2 =	sadd.s32 s2, s17  }
0x8e: {  	[smem:$0x3FC3] =	sst s2  }
0x8f: {  	_ = 	snop  }
0x90: {  	s2 =	sld [smem:$0x3FD0];
	(tm) =	ssettm $0x1  }
0x91: {  	s18 =	sld [smem:$0x3FFB];
	_ =	sdelay $0x3  }
0x92: {  	_ =	strace s18  }
0x93: {  	s3 =	sld [smem:$0x3FFC];
	_ =	sdelay $0x3  }
0x94: {  	_ =	strace s3  }
0x95: {  	s3 =	sld [smem:$0x3FFD];
	_ =	sdelay $0x3  }
0x96: {  	_ =	strace s3  }
0x97: {  	_ =	strace $0x8FFFFFFF  }
0x98: {  	s19 =	sld [smem:$0x3FDB];
	_ =	sdelay $0x1  }
0x99: {  	s4 =	simm.s32 $_scs_section_size  }
0x9a: {  	s5 =	simm.s32 $_size__tile_overlayer_lowered;
	s6 =	simm.s32 $_tile_overlayer_lowered  }
0x9b: {  	s22 =	simm.s32 $0x1BFF;
	s21 =	sshll.u32 s6, $0x1;
	s3 =	sadd.s32 s4, s19  }
0x9c: {  	s7 =	simm.s32 $0x0;
	s20 =	sshll.u32 s5, $0x1;
	s5 =	sadd.s32 s21, s3  }
0x9d: {  	[timem:s7], [sflag:s22] =	dma.local [hbm:s5], s20  }
0x9e: {  	_ =	swait.ge [sflag:s22], s20  }
0x9f: {  	s4 =	ssub.s32 $0x0, s20;
	[sflag:s22] =	ssyncset.done $0x0  }
0xa0: {  	[sflag:s22] =	ssyncadd.s32 s4;
	_ =	sdelay $0x1  }
0xa1: {  	s23 =	simm.s32 $0x1B8B  }
0xa2: {  	_ =	swait.ge [sflag:s23], $0x1  }
0xa3: {  	[sflag:s23] =	ssyncset.done $0x0  }
0xa4: {  	s25 =	simm.s32 $0x1B8E;
	s24 =	sld [smem:$0x3FFE];
	[sflag:s23] =	ssyncadd.s32 $0xFFFFFFFF  }
0xa5: {  	s26 =	simm.s32 $execute0_lowered;
	[smem:$0x3FD2] =	sst s25  }
0xa6: {  	s5 =	sshll.u32 s26, $0x1;
	_ =	strace $0x80000046;
	[dreg:$0x1] =	wrdreg $0xFFFFFFFF  }
0xa7: {  	s28 =	simm.s32 $_size_execute0_lowered;
	s3 =	sadd.s32 s3, s5;
	[dreg:$0x0] =	wrdreg $0x0  }
0xa8: {  	s5 =	sshll.u32 s28, $0x1;
	[dreg:$0x2] =	wrdreg s3  }
0xa9: {  	[dreg:$0x3] =	wrdreg s5  }
0xaa: {  	[dreg:$0x4] =	wrdreg $0xC0  }
0xab: {  	_ =	task [dreg:s7], $0x5FFFF  }
0xac: {  	[dreg:$0x1] =	wrdreg $0xFFFFFFFF  }
0xad: {  	[dreg:$0x0] =	wrdreg $0x60  }
0xae: {  	[dreg:$0x2] =	wrdreg s24  }
0xaf: {  	[dreg:$0x3] =	wrdreg s2  }
0xb0: {  	[dreg:$0x4] =	wrdreg $0x0  }
0xb1: {  	[dreg:$0x5] =	wrdreg $0x9  }
0xb2: {  	_ =	task.clear_ibuf [dreg:s7], $0x6FFFF;
	_ =	strace $0x90000046  }
0xb3: {  	s29 =	simm.s32 $0x9;
	_ =	strace $0x80000048  }
0xb4: {  	_ =	swait.ge [sflag:s29], $0x1  }
0xb5: {  	[sflag:s29] =	ssyncadd.s32 $0xFFFFFFFF  }
0xb6: {  	_ =	strace $0x90000048  }
0xb7: {  	_ =	sfence  }
0xb8: {  	s30 =	sld [smem:$0x0];
	_ =	sdelay $0x2  }
0xb9: {  	s31 =	sshll.u32 s1, $0xD;
	s1 =	sshrl.u32 s1, $0x2  }
0xba: {  	s3 =	sand.u32 $0x4000, s31;
	s1 =	sadd.s32 s1, s30  }
0xbb: {  	s0 =	sor.u32 s3, s0;
	s1 =	sshll.u32 s1, $0x11  }
0xbc: {  	s0 =	sor.u32 s1, s0  }
0xbd: {  	s0 =	sadd.s32 $0x8F2B, s0  }
0xbe: {  	[sflag:s0] =	ssyncadd.remote.s32 $0x1  }
0xbf: {  	_ =	sfence.sel $0xFFFF  }
0xc0: {  	[dreg:$0x0] =	wrdreg $0xFFFFFFFF;
	(pc) =	sbr.abs _section_cstart, $3  }
0xc1: {  	[dreg:$0x1] =	wrdreg $0xFFFFFFFF  }
0xc2: {  	_ =	task.clear_ibuf [dreg:s7], $0x2FFFF;
	_ =	strace $0x9FFFFFFF  }
0xc3: {  	(tm) =	ssettm $0x7FFFFFFF  }
tec
execute0_lowered:
.L_overlay_start_1:
0x0: {  	(tag) =	ssettag $0x1  }
0x1: {  	s4 =	rddreg [dreg:$0x0]  }
0x2: {  	s5 =	rddreg [dreg:$0x1]  }
0x3: {  	s1 =	rddreg [dreg:$0x2]  }
0x4: {  	s2 =	simm.s32 $0x0;
	s3 =	srdreg.scid;
	s6 =	stileid.u32  }
0x5: {  	s11 =	simm.s32 $0x9800;
	s12 =	simm.s32 $0x60;
	s14 =	simm.s32 $0xCC00  }
0x6: {  	s16 =	simm.s32 $0xFC00;
	s17 =	simm.s32 $0x13000;
	s18 =	simm.s32 $0x1  }
0x7: {  	s19 =	simm.s32 $0x5;
	s20 =	simm.s32 $0x2;
	s21 =	simm.s32 $0x6  }
0x8: {  	s22 =	simm.s32 $0x3;
	s23 =	simm.s32 $0x7;
	s24 =	simm.s32 $0x4  }
0x9: {  	s25 =	simm.s32 $0x8;
	s26 =	simm.s32 $0x0;
	[smem:$0x7FF] =	sst s2  }
0xa: {  	s7 =	sand.u32 $0x1, s3;
	s3 =	sadd.s32 $0x21200, s4;
	s8 =	sshll.u32 s6, $0xD  }
0xb: {  	s10 =	smul.u32 $0xC8000, s6;
	p0 =	sne.s32 s6, $0x0;
	_ =	strace $0x80000047  }
0xc: {  	s9 =	sshll.u32 s7, $0xC;
	s28 =	ssub.s32 $0x2, s7;
	s7 =	smul.u32 $0x64000, s7  }
0xd: {  	s8 =	sor.u32 s9, s8;
	s29 =	sshrl.u32 s28, $0x1;
	s30 =	sadd.s32 s10, s5  }
0xe: {  	s9 =	simm.s32 $0x9;
	s10 =	simm.s32 $0x68;
	s4 =	sadd.s32 s8, s4  }
0xf: {  	s8 =	ssub.s32 s28, s29;
	s7 =	sadd.s32 s7, s30;
	s0 =	sadd.s32 $0x1200, s4  }
0x10: {  	s31 =	smax.u32 s8, $0x1;
	s6 =	sadd.s32 $0x1300, s7;
	[dreg:$0x4] =	wrdreg s0  }
0x11: {  	s7 =	simm.s32 $0x1800;
	s8 =	sshrl.u32 @!p0 s1, $0x3;
	[dreg:$0x5] =	wrdreg s31  }
.LBB2_1:
0x12: {  	s0 =	rddreg [dreg:$0x4];
	s28 =	simm.s32 @!p0 $0x1C0A  }
0x13: {  	[tilespmem:s7], [sflag:$0x9] =	stream.linear.gather [hbm4b:s0+s2], $0x8000, $0x38;
	[tilespmem:$0x16000] =	vst v63  }
0x14: {  	[spmem:s8], [sflag:s28] =	dma.local @!p0 [hbm:s3], $0x3000  }
0x15: {  	s28 =	simm.s32 @!p0 $0xA  }
0x16: {  	_ =	swait.ge @!p0 [sflag:s28], $0x3000  }
0x17: {  	[sflag:s28] =	ssyncset.done @!p0 $0x0  }
0x18: {  	[sflag:s28] =	ssyncadd.s32 @!p0 $0xFFFFD000  }
0x19: {  	_ =	swait.ge [sflag:s9], $0x8000  }
0x1a: {  	[sflag:s9] =	ssyncset.done $0x0  }
0x1b: {  	[sflag:s9] =	ssyncadd.s32 $0xFFFF8000  }
0x1c: {  	[bflag:$0x0] =	sbarrier.arrive $0xFFFF  }
0x1d: {  	[tilespmem:s11], [sflag:$0x1] =	stream.indirect.gather [spmem:s1], $0x80, s7, s10, $0xb8;
	[tilespmem:$0x16000] =	vst v63  }
0x1e: {  	s13 =	simm.s32 $0x1868;
	p1 =	por $0x1, $0x1  }
0x1f: {  	[tilespmem:s14], [sflag:$0x2] =	stream.indirect.gather [spmem:s1], $0x80, s13, s12, $0xb8;
	[tilespmem:$0x16000] =	vst v63  }
0x20: {  	s15 =	simm.s32 $0x1900;
	s28 =	simm.s32 @!p1 $0x8  }
0x21: {  	[tilespmem:s16], [sflag:$0x3] =	stream.indirect.gather [spmem:s1], $0x80, s15, s10, $0xb8;
	[tilespmem:$0x16000] =	vst v63  }
0x22: {  	_ =	swait.ge @!p1 [sflag:s28], $0x3000  }
0x23: {  	[sflag:s28] =	ssyncset.done @!p1 $0x0  }
0x24: {  	[sflag:s28] =	ssyncadd.s32 @!p1 $0xFFFFD000;
	s28 =	simm.s32 $0x1968  }
0x25: {  	[tilespmem:s17], [sflag:$0x4] =	stream.indirect.gather [hbm4b:s3+s12], $0x80, s28, s12, $0xb8;
	[tilespmem:$0x16000] =	vst v63  }
0x26: {  	_ =	swait.ge [sflag:s18], $0x3400  }
0x27: {  	[sflag:s18] =	ssyncset.done $0x0  }
0x28: {  	s28 =	sadd.s32 $0xFFFFED00, s6;
	[sflag:s18] =	ssyncadd.s32 $0xFFFFCC00  }
0x29: {  	[hbm4b:s28+s2] =	stream.linear.scatter [tilespmem:s11], [sflag:$0x5], $0x3400, $0x38;
	[tilespmem:$0x16000] =	vst v63  }
0x2a: {  	p1 =	por $0x0, $0x0;
	_ =	swait.ge [sflag:s19], $0x3400  }
0x2b: {  	s29 =	simm.s32 @!p1 $0x1A00;
	[sflag:s19] =	ssyncset.done $0x0  }
0x2c: {  	s30 =	simm.s32 @!p1 $0x68;
	s28 =	simm.s32 @!p1 $0x9800;
	[sflag:s19] =	ssyncadd.s32 $0xFFFFCC00  }
0x2d: {  	[tilespmem:s28], [sflag:$0x1] =	stream.indirect.gather @!p1 [spmem:s1], $0x80, s29, s30, $0xb8;
	[tilespmem:$0x16000] =	vst v63  }
0x2e: {  	_ =	swait.ge [sflag:s20], $0x3000  }
0x2f: {  	[sflag:s20] =	ssyncset.done $0x0  }
0x30: {  	s28 =	sadd.s32 $0xFFFFF380, s6;
	[sflag:s20] =	ssyncadd.s32 $0xFFFFD000  }
0x31: {  	[hbm4b:s28+s2] =	stream.linear.scatter [tilespmem:s14], [sflag:$0x6], $0x3000, $0x38;
	[tilespmem:$0x16000] =	vst v63  }
0x32: {  	_ =	swait.ge [sflag:s21], $0x3000  }
0x33: {  	s31 =	simm.s32 @!p1 $0xCC00;
	[sflag:s21] =	ssyncset.done $0x0  }
0x34: {  	s29 =	simm.s32 @!p1 $0x60;
	s28 =	simm.s32 @!p1 $0x1A68;
	[sflag:s21] =	ssyncadd.s32 $0xFFFFD000  }
0x35: {  	[tilespmem:s31], [sflag:$0x2] =	stream.indirect.gather @!p1 [spmem:s1], $0x80, s28, s29, $0xb8;
	[tilespmem:$0x16000] =	vst v63  }
0x36: {  	_ =	swait.ge [sflag:s22], $0x3400  }
0x37: {  	[sflag:s22] =	ssyncset.done $0x0  }
0x38: {  	s28 =	sadd.s32 $0xFFFFF980, s6;
	[sflag:s22] =	ssyncadd.s32 $0xFFFFCC00  }
0x39: {  	[hbm4b:s28+s2] =	stream.linear.scatter [tilespmem:s16], [sflag:$0x7], $0x3400, $0x38;
	[tilespmem:$0x16000] =	vst v63  }
0x3a: {  	_ =	swait.ge [sflag:s23], $0x3400  }
0x3b: {  	p2 =	por $0x0, $0x0;
	[sflag:s23] =	ssyncset.done $0x0  }
0x3c: {  	s29 =	simm.s32 @!p1 $0xFC00;
	s28 =	simm.s32 @!p1 $0x1B00;
	[sflag:s23] =	ssyncadd.s32 $0xFFFFCC00  }
0x3d: {  	[tilespmem:s29], [sflag:$0x3] =	stream.indirect.gather @!p1 [spmem:s1], $0x80, s28, s30, $0xb8;
	[tilespmem:$0x16000] =	vst v63  }
0x3e: {  	s31 =	smov.u32 s6;
	s29 =	simm.s32 $0x800;
	_ =	swait.ge [sflag:s24], $0x3000  }
0x3f: {  	s30 =	simm.s32 $0x1000;
	s28 =	sadd.s32 $0x1900, s6;
	[sflag:s24] =	ssyncset.done $0x0  }
.LBB2_2:
0x40: {  	s0 =	simm.s32 @!p2 $0x8  }
0x41: {  	[sflag:s24] =	ssyncadd.s32 $0xFFFFD000;
	s13 =	smov.u32 s30;
	s30 =	sadd.s32 $0x800, s30  }
0x42: {  	[hbm4b:s31+s2] =	stream.linear.scatter [tilespmem:s17], [sflag:$0x8], $0x3000, $0x38;
	[tilespmem:$0x16000] =	vst v63  }
0x43: {  	p1 =	sne.s32 s30, $0x20000;
	s31 =	smov.u32 s28;
	_ =	swait.ge @!p2 [sflag:s0], $0x3000  }
0x44: {  	s15 =	sshra.s32 s29, $0x2;
	[sflag:s0] =	ssyncset.done @!p2 $0x0  }
0x45: {  	[sflag:s0] =	ssyncadd.s32 @!p2 $0xFFFFD000;
	s0 =	sadd.s32 $0x1968, s15  }
0x46: {  	[tilespmem:s17], [sflag:$0x4] =	stream.indirect.gather [hbm4b:s3+s12], $0x80, s0, s12, $0xb8;
	[tilespmem:$0x16000] =	vst v63  }
0x47: {  	_ =	swait.ge [sflag:s18], $0x3400  }
0x48: {  	[sflag:s18] =	ssyncset.done $0x0  }
0x49: {  	s0 =	sadd.s32 $0xFFFFED00, s28;
	[sflag:s18] =	ssyncadd.s32 $0xFFFFCC00  }
0x4a: {  	[hbm4b:s0+s2] =	stream.linear.scatter [tilespmem:s11], [sflag:$0x5], $0x3400, $0x38;
	[tilespmem:$0x16000] =	vst v63  }
0x4b: {  	p2 =	seq.s32 s29, $0x1F800;
	_ =	swait.ge [sflag:s19], $0x3400  }
0x4c: {  	s15 =	simm.s32 @!p2 $0x9800;
	s0 =	sshra.s32 @!p2 s29, $0x2;
	[sflag:s19] =	ssyncset.done $0x0  }
0x4d: {  	s4 =	simm.s32 @!p2 $0x68;
	s29 =	sadd.s32 @!p2 $0x1A00, s0;
	[sflag:s19] =	ssyncadd.s32 $0xFFFFCC00  }
0x4e: {  	[tilespmem:s15], [sflag:$0x1] =	stream.indirect.gather @!p2 [spmem:s1], $0x80, s29, s4, $0xb8;
	[tilespmem:$0x16000] =	vst v63  }
0x4f: {  	s15 =	sadd.s32 @!p2 $0x1A68, s0;
	s0 =	sadd.s32 @!p2 $0x1B00, s0;
	_ =	swait.ge [sflag:s20], $0x3000  }
0x50: {  	s29 =	smov.u32 s13;
	[sflag:s20] =	ssyncset.done $0x0  }
0x51: {  	s13 =	sadd.s32 $0xFFFFF380, s28;
	[sflag:s20] =	ssyncadd.s32 $0xFFFFD000  }
0x52: {  	[hbm4b:s13+s2] =	stream.linear.scatter [tilespmem:s14], [sflag:$0x6], $0x3000, $0x38;
	[tilespmem:$0x16000] =	vst v63  }
0x53: {  	_ =	swait.ge [sflag:s21], $0x3000  }
0x54: {  	[sflag:s21] =	ssyncset.done $0x0  }
0x55: {  	s5 =	simm.s32 @!p2 $0xCC00;
	s13 =	simm.s32 @!p2 $0x60;
	[sflag:s21] =	ssyncadd.s32 $0xFFFFD000  }
0x56: {  	[tilespmem:s5], [sflag:$0x2] =	stream.indirect.gather @!p2 [spmem:s1], $0x80, s15, s13, $0xb8;
	[tilespmem:$0x16000] =	vst v63  }
0x57: {  	_ =	swait.ge [sflag:s22], $0x3400  }
0x58: {  	[sflag:s22] =	ssyncset.done $0x0  }
0x59: {  	s5 =	sadd.s32 $0xFFFFF980, s28;
	[sflag:s22] =	ssyncadd.s32 $0xFFFFCC00  }
0x5a: {  	[hbm4b:s5+s2] =	stream.linear.scatter [tilespmem:s16], [sflag:$0x7], $0x3400, $0x38;
	[tilespmem:$0x16000] =	vst v63  }
0x5b: {  	_ =	swait.ge [sflag:s23], $0x3400  }
.Ltmp0:
0x5c: {  	[sflag:s23] =	ssyncset.done $0x0;
	(pc) =	sbr.rel @p1 .LBB2_2-.Ltmp0, $4  }
0x5d: {  	s5 =	simm.s32 @!p2 $0xFC00;
	[sflag:s23] =	ssyncadd.s32 $0xFFFFCC00  }
0x5e: {  	[tilespmem:s5], [sflag:$0x3] =	stream.indirect.gather @!p2 [spmem:s1], $0x80, s0, s4, $0xb8;
	[tilespmem:$0x16000] =	vst v63  }
0x5f: {  	_ =	swait.ge [sflag:s24], $0x3000  }
0x60: {  	s28 =	sadd.s32 $0x1900, s28;
	p2 =	seq.s32 s29, $0x0;
	[sflag:s24] =	ssyncset.done $0x0  }
0x61: {  	s0 =	simm.s32 @!p2 $0x8;
	[sflag:s24] =	ssyncadd.s32 $0xFFFFD000  }
0x62: {  	[hbm4b:s31+s2] =	stream.linear.scatter [tilespmem:s17], [sflag:$0x8], $0x3000, $0x38;
	[tilespmem:$0x16000] =	vst v63  }
0x63: {  	_ =	swait.ge @!p2 [sflag:s0], $0x3000  }
0x64: {  	s4 =	sshra.s32 s29, $0x2;
	[sflag:s0] =	ssyncset.done @!p2 $0x0  }
0x65: {  	s13 =	sadd.s32 $0x1968, s4;
	[sflag:s0] =	ssyncadd.s32 @!p2 $0xFFFFD000  }
0x66: {  	[tilespmem:s17], [sflag:$0x4] =	stream.indirect.gather [hbm4b:s3+s12], $0x80, s13, s12, $0xb8;
	[tilespmem:$0x16000] =	vst v63  }
0x67: {  	_ =	swait.ge [sflag:s18], $0x3400  }
0x68: {  	[sflag:s18] =	ssyncset.done $0x0  }
0x69: {  	s15 =	sadd.s32 $0xFFFFED00, s28;
	[sflag:s18] =	ssyncadd.s32 $0xFFFFCC00  }
0x6a: {  	[hbm4b:s15+s2] =	stream.linear.scatter [tilespmem:s11], [sflag:$0x5], $0x3400, $0x38;
	[tilespmem:$0x16000] =	vst v63  }
0x6b: {  	p1 =	seq.s32 s29, $0x1F800;
	_ =	swait.ge [sflag:s19], $0x3400  }
0x6c: {  	s4 =	simm.s32 @!p1 $0x9800;
	s0 =	sshra.s32 @!p1 s29, $0x2;
	[sflag:s19] =	ssyncset.done $0x0  }
0x6d: {  	s5 =	sadd.s32 @!p1 $0x1A00, s0;
	s13 =	simm.s32 @!p1 $0x68;
	[sflag:s19] =	ssyncadd.s32 $0xFFFFCC00  }
0x6e: {  	[tilespmem:s4], [sflag:$0x1] =	stream.indirect.gather @!p1 [spmem:s1], $0x80, s5, s13, $0xb8;
	[tilespmem:$0x16000] =	vst v63  }
0x6f: {  	_ =	swait.ge [sflag:s20], $0x3000  }
0x70: {  	[sflag:s20] =	ssyncset.done $0x0  }
0x71: {  	s29 =	sadd.s32 $0xFFFFF380, s28;
	[sflag:s20] =	ssyncadd.s32 $0xFFFFD000  }
0x72: {  	[hbm4b:s29+s2] =	stream.linear.scatter [tilespmem:s14], [sflag:$0x6], $0x3000, $0x38;
	[tilespmem:$0x16000] =	vst v63  }
0x73: {  	_ =	swait.ge [sflag:s21], $0x3000  }
0x74: {  	s15 =	simm.s32 @!p1 $0xCC00;
	[sflag:s21] =	ssyncset.done $0x0  }
0x75: {  	s4 =	sadd.s32 @!p1 $0x1A68, s0;
	s5 =	simm.s32 @!p1 $0x60;
	[sflag:s21] =	ssyncadd.s32 $0xFFFFD000  }
0x76: {  	[tilespmem:s15], [sflag:$0x2] =	stream.indirect.gather @!p1 [spmem:s1], $0x80, s4, s5, $0xb8;
	[tilespmem:$0x16000] =	vst v63  }
0x77: {  	_ =	swait.ge [sflag:s22], $0x3400  }
0x78: {  	[sflag:s22] =	ssyncset.done $0x0  }
0x79: {  	s30 =	sadd.s32 $0xFFFFF980, s28;
	[sflag:s22] =	ssyncadd.s32 $0xFFFFCC00  }
0x7a: {  	[hbm4b:s30+s2] =	stream.linear.scatter [tilespmem:s16], [sflag:$0x7], $0x3400, $0x38;
	[tilespmem:$0x16000] =	vst v63  }
0x7b: {  	_ =	swait.ge [sflag:s23], $0x3400  }
0x7c: {  	[sflag:s23] =	ssyncset.done $0x0  }
0x7d: {  	s0 =	sadd.s32 @!p1 $0x1B00, s0;
	s4 =	simm.s32 @!p1 $0xFC00;
	[sflag:s23] =	ssyncadd.s32 $0xFFFFCC00  }
0x7e: {  	[tilespmem:s4], [sflag:$0x3] =	stream.indirect.gather @!p1 [spmem:s1], $0x80, s0, s13, $0xb8;
	[tilespmem:$0x16000] =	vst v63  }
0x7f: {  	_ =	swait.ge [sflag:s24], $0x3000  }
0x80: {  	[sflag:s24] =	ssyncset.done $0x0  }
0x81: {  	[sflag:s24] =	ssyncadd.s32 $0xFFFFD000  }
0x82: {  	[hbm4b:s28+s2] =	stream.linear.scatter [tilespmem:s17], [sflag:$0x8], $0x3000, $0x38;
	[tilespmem:$0x16000] =	vst v63  }
0x83: {  	_ =	swait.ge [sflag:s25], $0x3000  }
0x84: {  	s26 =	sadd.s32 $0x1, s26;
	s31 =	rddreg [dreg:$0x5]  }
0x85: {  	p1 =	sne.s32 s26, s31  }
.Ltmp1:
0x86: {  	_ = 	snop;
	(pc) =	sbr.rel @p1 .LBB2_1-.Ltmp1, $3  }
0x87: {  	_ =	sdelay $0x1  }
0x88: {  	[sflag:s25] =	ssyncset.done $0x0  }
0x89: {  	[sflag:s25] =	ssyncadd.s32 $0xFFFFD000  }
0x8a: {  	_ =	sfence.sel $0x180000  }
0x8b: {  	[bflag:$0x0] =	sbarrier.arrive $0xFFFF  }
0x8c: {  	_ =	strace $0x90000047  }
0x8d: {  	[bflag:$0x2] =	sbarrier.arrive $0xFFFF  }
0x8e: {  	s0 =	rddreg [dreg:$0x3]  }
0x8f: {  	s0 =	sadd.s32 @!p0 $0x100000, s0  }
0x90: {  	[sflag:s0] =	ssyncadd.tile.s32 @!p0 $0x1;
	_ =	shalt  }
.Lfunc_end2:
_tile_overlayer_lowered:
.L_overlay_start_2:
0x91: {  	(tag) =	ssettag $0x2  }
0x92: {  	s0 =	rddreg [dreg:$0x0];
	s2 =	stileid.u32  }
0x93: {  	s1 =	rddreg [dreg:$0x1];
	p0 =	sne.s32 s2, $0x0  }
0x94: {  	s3 =	rddreg [dreg:$0x2];
	[bflag:$0x3] =	sbarrier.arrive $0xFFFF;
	s2 =	simm.s32 @!p0 $0x1C0A  }
0x95: {  	[timem:s3], [sflag:s2] =	dma.local @!p0 [hbm:s0], s1  }
0x96: {  	s0 =	simm.s32 @!p0 $0xA  }
0x97: {  	_ =	swait.ge @!p0 [sflag:s0], s1  }
0x98: {  	s1 =	ssub.s32 @!p0 $0x0, s1;
	[sflag:s0] =	ssyncset.done @!p0 $0x0  }
0x99: {  	[sflag:s0] =	ssyncadd.s32 @!p0 s1  }
0x9a: {  	[bflag:$0x3] =	sbarrier.arrive $0xFFFF  }
0x9b: {  	_ =	shalt  }

</sc_bundles>
